<compile_context>
chip_gen: v7x
topology: tpu7x:2x2x1
jax: 0.10.2.dev20260603
libtpu: 0.0.44.dev20260713+nightly
codegen_flags: <defaults>
</compile_context>

<pallas_src>
import numpy as np

import jax
import jax.numpy as jnp
from jax import lax
from jax.experimental import pallas as pl
from jax.experimental.pallas import tpu as pltpu
from jax.experimental.pallas import tpu_sc as plsc

N_ROWS = 1_000_000
N_CLS = 100
N_BINS = 15

BLK = 4000
GRID = N_ROWS // BLK

NW = 32
CHUNK = 31_264
N_PAD = NW * CHUNK
GROUPS = CHUNK // 16

_LOWERS = [float(v) for v in np.linspace(0.0, 1.0, N_BINS + 1)[:-1]]


def _conf_body(logits_ref, colv_ref, packed_ref):
    x = logits_ref[...]
    e = jnp.exp(x)
    emax = jnp.max(e, axis=1, keepdims=True)
    s = jnp.sum(e, axis=1, keepdims=True)
    eqm01 = jnp.where(e == emax, 1.0, 0.0)
    predf = jnp.dot(eqm01, colv_ref[...],
                    preferred_element_type=jnp.float32)
    packed = predf * 4.0 + emax / s
    packed_ref[0, 0, :] = packed[:, 0]


def _hist_body(pk_hbm, lb_hbm, out_hbm, pk_v, lb_v,
               cnt_v, cnf_v, acc_v, part_v):
    wid = lax.axis_index("c") * 16 + lax.axis_index("s")
    base = wid * CHUNK
    pltpu.sync_copy(pk_hbm.at[pl.ds(base, CHUNK)], pk_v)
    pltpu.sync_copy(lb_hbm.at[pl.ds(base, CHUNK)], lb_v)

    zero = jnp.zeros((16,), jnp.float32)
    for r in range(16):
        cnt_v[pl.ds(r * 16, 16)] = zero
        cnf_v[pl.ds(r * 16, 16)] = zero
        acc_v[pl.ds(r * 16, 16)] = zero

    lanes16 = lax.iota(jnp.int32, 16) * 16
    ones = jnp.ones((16,), jnp.float32)
    one_i = jnp.ones((16,), jnp.int32)
    neg1_i = jnp.full((16,), -1, jnp.int32)

    def body(g, carry):
        pk = pk_v[pl.ds(g * 16, 16)]
        l = lb_v[pl.ds(g * 16, 16)]
        pf = (pk * 0.25).astype(jnp.int32).astype(jnp.float32)
        c = pk - pf * 4.0
        a = jnp.where(pf == l, ones, zero)
        t = neg1_i
        for b in range(N_BINS):
            t = t + jnp.where(c > _LOWERS[b], one_i, 0)
        t = jnp.bitwise_and(t, 15) + lanes16
        plsc.addupdate_scatter(cnt_v, [t], ones)
        plsc.addupdate_scatter(cnf_v, [t], c)
        plsc.addupdate_scatter(acc_v, [t], a)
        return carry

    lax.fori_loop(0, GROUPS, body, 0)

    csum = cnt_v[pl.ds(0, 16)]
    fsum = cnf_v[pl.ds(0, 16)]
    asum = acc_v[pl.ds(0, 16)]
    for r in range(1, 16):
        csum = csum + cnt_v[pl.ds(r * 16, 16)]
        fsum = fsum + cnf_v[pl.ds(r * 16, 16)]
        asum = asum + acc_v[pl.ds(r * 16, 16)]
    part_v[pl.ds(0, 16)] = csum
    part_v[pl.ds(16, 16)] = fsum
    part_v[pl.ds(32, 16)] = asum
    pltpu.sync_copy(part_v, out_hbm.at[wid])


def _final_body(part_ref, out_ref):
    p = part_ref[...]
    s = jnp.sum(p, axis=0)
    cnt = s[0:16]
    cnf = s[16:32]
    acc = s[32:48]
    safe = jnp.maximum(cnt, 1.0)
    nz = cnt > 0.0
    out_ref[0, :] = jnp.where(nz, cnf / safe, 0.0)
    out_ref[1, :] = jnp.where(nz, acc / safe, 0.0)


def kernel(logits, labels):
    colv = jnp.arange(N_CLS, dtype=jnp.float32).reshape(N_CLS, 1)
    packed3 = pl.pallas_call(
        _conf_body,
        grid=(GRID,),
        in_specs=[
            pl.BlockSpec((BLK, N_CLS), lambda i: (i, 0)),
            pl.BlockSpec((N_CLS, 1), lambda i: (0, 0)),
        ],
        out_specs=pl.BlockSpec((1, 1, BLK), lambda i: (i, 0, 0)),
        out_shape=jax.ShapeDtypeStruct((GRID, 1, BLK), jnp.float32),
        compiler_params=pltpu.CompilerParams(
            dimension_semantics=("parallel",)),
    )(logits, colv)

    zpad = jnp.zeros((N_PAD - N_ROWS,), jnp.float32)
    pk = jnp.concatenate([packed3.reshape(N_ROWS), zpad])
    lb = jnp.concatenate([labels.astype(jnp.float32), zpad + 1.0])

    mesh = plsc.VectorSubcoreMesh(core_axis_name="c", subcore_axis_name="s")
    hist = pl.kernel(
        _hist_body,
        mesh=mesh,
        compiler_params=pltpu.CompilerParams(needs_layout_passes=False),
        out_type=jax.ShapeDtypeStruct((NW, 48), jnp.float32),
        scratch_types=[
            pltpu.VMEM((CHUNK,), jnp.float32),
            pltpu.VMEM((CHUNK,), jnp.float32),
            pltpu.VMEM((256,), jnp.float32),
            pltpu.VMEM((256,), jnp.float32),
            pltpu.VMEM((256,), jnp.float32),
            pltpu.VMEM((48,), jnp.float32),
        ],
    )
    parts = hist(pk, lb)

    fin = pl.pallas_call(
        _final_body,
        out_shape=jax.ShapeDtypeStruct((2, 16), jnp.float32),
    )(parts)

    return fin[0, :N_BINS], fin[1, :N_BINS]

# --- scband reference (transcript-rebuilt; emitter-appended) ---
"""Pipeline reference for scband-reliability-diagram-40922448396582 (READ-ONLY COPY).

The authoritative reference and input builder live on the scoring server;
editing this copy changes nothing except your own understanding.
"""

import jax, jax.numpy as jnp
import numpy as np

N_BINS = 15

def setup_inputs(seed: int = 0) -> dict:
    key = jax.random.key(seed)
    k1, k2 = jax.random.split(key)
    logits = jax.random.normal(k1, (1000000, 100), dtype=jnp.float32)
    labels = jax.random.randint(k2, (1000000,), 0, 100)
    return {"logits": logits, "labels": labels}

def reference(logits, labels):
    n_bins = N_BINS
    bin_boundaries = jnp.linspace(0.0, 1.0, n_bins + 1)
    bin_lowers = bin_boundaries[:-1]
    bin_uppers = bin_boundaries[1:]

    softmaxes = jax.nn.softmax(logits, axis=1)
    confidences = jnp.max(softmaxes, axis=1)
    predictions = jnp.argmax(softmaxes, axis=1)
    accuracies = (predictions == labels).astype(jnp.float32)

    # in_bin[b, n] = (conf > lower_b) & (conf <= upper_b)  -- vectorized over bins
    in_bin = (confidences[None, :] > bin_lowers[:, None]) & (confidences[None, :] <= bin_uppers[:, None])
    in_bin_f = in_bin.astype(jnp.float32)

    count = in_bin_f.sum(axis=1)                      # [n_bins]
    count_safe = jnp.maximum(count, 1.0)

    acc_sum = (in_bin_f * accuracies[None, :]).sum(axis=1)
    conf_sum = (in_bin_f * confidences[None, :]).sum(axis=1)

    accuracy_bins = jnp.where(count > 0, acc_sum / count_safe, 0.0)
    confidence_bins = jnp.where(count > 0, conf_sum / count_safe, 0.0)

    return (confidence_bins, accuracy_bins)

if __name__ == "__main__":
    import jax
    _d = setup_inputs()
    print(jax.jit(kernel)(*tuple(_d.values())))

</pallas_src>

<mosaic_0001>
#map = affine_map<(d0, d1) -> (0)>
#map1 = affine_map<(d0, d1) -> (0, 0)>
module attributes {stable_mosaic.version = 14 : i64} {
  func.func @_hist_body(%arg0: i32, %arg1: i32, %arg2: memref<1000448xf32, #tpu.memory_space<hbm>>, %arg3: memref<1000448xf32, #tpu.memory_space<hbm>>, %arg4: memref<32x48xf32, #tpu.memory_space<hbm>>, %arg5: memref<31264xf32, #tpu.memory_space<vmem>>, %arg6: memref<31264xf32, #tpu.memory_space<vmem>>, %arg7: memref<256xf32, #tpu.memory_space<vmem>>, %arg8: memref<256xf32, #tpu.memory_space<vmem>>, %arg9: memref<256xf32, #tpu.memory_space<vmem>>, %arg10: memref<48xf32, #tpu.memory_space<vmem>>) attributes {dimension_semantics = [#tpu.dimension_semantics<core_parallel>, #tpu.dimension_semantics<subcore_parallel>], iteration_bounds = array<i64: 2, 16>, scalar_prefetch = 0 : i64, scratch_operands = 6 : i64, tpu.core_type = #tpu.core_type<sc_vector_subcore>, window_params = [{transform_indices = #map}, {transform_indices = #map}, {transform_indices = #map1}]} {
    %mul3A = arith.constant 16 : i32
    %mul3A_0 = arith.muli %arg0, %mul3A : i32
    %add3A = arith.addi %mul3A_0, %arg1 : i32
    %mul3A_1 = arith.constant 31264 : i32
    %mul3A_2 = arith.muli %add3A, %mul3A_1 : i32
    "tpu.region"() ({
      %run_scoped3A = tpu.sem_alloc : memref<!tpu.dma_semaphore, #tpu.memory_space<semaphore_mem>>
      %dma_start3A = tpu.memref_slice %arg2[%mul3A_2] : memref<1000448xf32, #tpu.memory_space<hbm>> -> memref<31264xf32, #tpu.memory_space<hbm>>
      %dma_start3A_259 = tpu.memref_slice %arg2[%mul3A_2] : memref<1000448xf32, #tpu.memory_space<hbm>> -> memref<31264xf32, #tpu.memory_space<hbm>>
      tpu.enqueue_dma source(%dma_start3A_259 : memref<31264xf32, #tpu.memory_space<hbm>>) target(%arg5 : memref<31264xf32, #tpu.memory_space<vmem>>) target_semaphore(%run_scoped3A : memref<!tpu.dma_semaphore, #tpu.memory_space<semaphore_mem>>)
      %dma_wait3A = tpu.memref_slice %arg2[%mul3A_2] : memref<1000448xf32, #tpu.memory_space<hbm>> -> memref<31264xf32, #tpu.memory_space<hbm>>
      %dma_wait3A_260 = tpu.memref_slice %arg2[%mul3A_2] : memref<1000448xf32, #tpu.memory_space<hbm>> -> memref<31264xf32, #tpu.memory_space<hbm>>
      tpu.wait_dma2 semaphore(%run_scoped3A : memref<!tpu.dma_semaphore, #tpu.memory_space<semaphore_mem>>) src(%dma_wait3A_260 : memref<31264xf32, #tpu.memory_space<hbm>>) dst(%arg5 : memref<31264xf32, #tpu.memory_space<vmem>>)
      tpu.yield
    }) : () -> ()
    "tpu.region"() ({
      %run_scoped3A = tpu.sem_alloc : memref<!tpu.dma_semaphore, #tpu.memory_space<semaphore_mem>>
      %dma_start3A = tpu.memref_slice %arg3[%mul3A_2] : memref<1000448xf32, #tpu.memory_space<hbm>> -> memref<31264xf32, #tpu.memory_space<hbm>>
      %dma_start3A_259 = tpu.memref_slice %arg3[%mul3A_2] : memref<1000448xf32, #tpu.memory_space<hbm>> -> memref<31264xf32, #tpu.memory_space<hbm>>
      tpu.enqueue_dma source(%dma_start3A_259 : memref<31264xf32, #tpu.memory_space<hbm>>) target(%arg6 : memref<31264xf32, #tpu.memory_space<vmem>>) target_semaphore(%run_scoped3A : memref<!tpu.dma_semaphore, #tpu.memory_space<semaphore_mem>>)
      %dma_wait3A = tpu.memref_slice %arg3[%mul3A_2] : memref<1000448xf32, #tpu.memory_space<hbm>> -> memref<31264xf32, #tpu.memory_space<hbm>>
      %dma_wait3A_260 = tpu.memref_slice %arg3[%mul3A_2] : memref<1000448xf32, #tpu.memory_space<hbm>> -> memref<31264xf32, #tpu.memory_space<hbm>>
      tpu.wait_dma2 semaphore(%run_scoped3A : memref<!tpu.dma_semaphore, #tpu.memory_space<semaphore_mem>>) src(%dma_wait3A_260 : memref<31264xf32, #tpu.memory_space<hbm>>) dst(%arg6 : memref<31264xf32, #tpu.memory_space<vmem>>)
      tpu.yield
    }) : () -> ()
    %broadcast_in_dim3A = arith.constant 0.000000e+00 : f32
    %broadcast_in_dim3A_3 = vector.broadcast %broadcast_in_dim3A : f32 to vector<16xf32>
    %swap3A = arith.constant 0 : index
    %swap3A_4 = tpu.vector_load %arg7[%swap3A] {strides = array<i32>} : memref<256xf32, #tpu.memory_space<vmem>>, vector<16xf32>,
    tpu.vector_store %arg7[%swap3A], %broadcast_in_dim3A_3 {strides = array<i32>} : memref<256xf32, #tpu.memory_space<vmem>>, vector<16xf32>,
    %swap3A_5 = arith.constant 0 : index
    %swap3A_6 = tpu.vector_load %arg8[%swap3A_5] {strides = array<i32>} : memref<256xf32, #tpu.memory_space<vmem>>, vector<16xf32>,
    tpu.vector_store %arg8[%swap3A_5], %broadcast_in_dim3A_3 {strides = array<i32>} : memref<256xf32, #tpu.memory_space<vmem>>, vector<16xf32>,
    %swap3A_7 = arith.constant 0 : index
    %swap3A_8 = tpu.vector_load %arg9[%swap3A_7] {strides = array<i32>} : memref<256xf32, #tpu.memory_space<vmem>>, vector<16xf32>,
    tpu.vector_store %arg9[%swap3A_7], %broadcast_in_dim3A_3 {strides = array<i32>} : memref<256xf32, #tpu.memory_space<vmem>>, vector<16xf32>,
    %swap3A_9 = arith.constant 16 : index
    %swap3A_10 = tpu.vector_load %arg7[%swap3A_9] {strides = array<i32>} : memref<256xf32, #tpu.memory_space<vmem>>, vector<16xf32>,
    tpu.vector_store %arg7[%swap3A_9], %broadcast_in_dim3A_3 {strides = array<i32>} : memref<256xf32, #tpu.memory_space<vmem>>, vector<16xf32>,
    %swap3A_11 = arith.constant 16 : index
    %swap3A_12 = tpu.vector_load %arg8[%swap3A_11] {strides = array<i32>} : memref<256xf32, #tpu.memory_space<vmem>>, vector<16xf32>,
    tpu.vector_store %arg8[%swap3A_11], %broadcast_in_dim3A_3 {strides = array<i32>} : memref<256xf32, #tpu.memory_space<vmem>>, vector<16xf32>,
    %swap3A_13 = arith.constant 16 : index
    %swap3A_14 = tpu.vector_load %arg9[%swap3A_13] {strides = array<i32>} : memref<256xf32, #tpu.memory_space<vmem>>, vector<16xf32>,
    tpu.vector_store %arg9[%swap3A_13], %broadcast_in_dim3A_3 {strides = array<i32>} : memref<256xf32, #tpu.memory_space<vmem>>, vector<16xf32>,
    %swap3A_15 = arith.constant 32 : index
    %swap3A_16 = tpu.vector_load %arg7[%swap3A_15] {strides = array<i32>} : memref<256xf32, #tpu.memory_space<vmem>>, vector<16xf32>,
    tpu.vector_store %arg7[%swap3A_15], %broadcast_in_dim3A_3 {strides = array<i32>} : memref<256xf32, #tpu.memory_space<vmem>>, vector<16xf32>,
    %swap3A_17 = arith.constant 32 : index
    %swap3A_18 = tpu.vector_load %arg8[%swap3A_17] {strides = array<i32>} : memref<256xf32, #tpu.memory_space<vmem>>, vector<16xf32>,
    tpu.vector_store %arg8[%swap3A_17], %broadcast_in_dim3A_3 {strides = array<i32>} : memref<256xf32, #tpu.memory_space<vmem>>, vector<16xf32>,
    %swap3A_19 = arith.constant 32 : index
    %swap3A_20 = tpu.vector_load %arg9[%swap3A_19] {strides = array<i32>} : memref<256xf32, #tpu.memory_space<vmem>>, vector<16xf32>,
    tpu.vector_store %arg9[%swap3A_19], %broadcast_in_dim3A_3 {strides = array<i32>} : memref<256xf32, #tpu.memory_space<vmem>>, vector<16xf32>,
    %swap3A_21 = arith.constant 48 : index
    %swap3A_22 = tpu.vector_load %arg7[%swap3A_21] {strides = array<i32>} : memref<256xf32, #tpu.memory_space<vmem>>, vector<16xf32>,
    tpu.vector_store %arg7[%swap3A_21], %broadcast_in_dim3A_3 {strides = array<i32>} : memref<256xf32, #tpu.memory_space<vmem>>, vector<16xf32>,
    %swap3A_23 = arith.constant 48 : index
    %swap3A_24 = tpu.vector_load %arg8[%swap3A_23] {strides = array<i32>} : memref<256xf32, #tpu.memory_space<vmem>>, vector<16xf32>,
    tpu.vector_store %arg8[%swap3A_23], %broadcast_in_dim3A_3 {strides = array<i32>} : memref<256xf32, #tpu.memory_space<vmem>>, vector<16xf32>,
    %swap3A_25 = arith.constant 48 : index
    %swap3A_26 = tpu.vector_load %arg9[%swap3A_25] {strides = array<i32>} : memref<256xf32, #tpu.memory_space<vmem>>, vector<16xf32>,
    tpu.vector_store %arg9[%swap3A_25], %broadcast_in_dim3A_3 {strides = array<i32>} : memref<256xf32, #tpu.memory_space<vmem>>, vector<16xf32>,
    %swap3A_27 = arith.constant 64 : index
    %swap3A_28 = tpu.vector_load %arg7[%swap3A_27] {strides = array<i32>} : memref<256xf32, #tpu.memory_space<vmem>>, vector<16xf32>,
    tpu.vector_store %arg7[%swap3A_27], %broadcast_in_dim3A_3 {strides = array<i32>} : memref<256xf32, #tpu.memory_space<vmem>>, vector<16xf32>,
    %swap3A_29 = arith.constant 64 : index
    %swap3A_30 = tpu.vector_load %arg8[%swap3A_29] {strides = array<i32>} : memref<256xf32, #tpu.memory_space<vmem>>, vector<16xf32>,
    tpu.vector_store %arg8[%swap3A_29], %broadcast_in_dim3A_3 {strides = array<i32>} : memref<256xf32, #tpu.memory_space<vmem>>, vector<16xf32>,
    %swap3A_31 = arith.constant 64 : index
    %swap3A_32 = tpu.vector_load %arg9[%swap3A_31] {strides = array<i32>} : memref<256xf32, #tpu.memory_space<vmem>>, vector<16xf32>,
    tpu.vector_store %arg9[%swap3A_31], %broadcast_in_dim3A_3 {strides = array<i32>} : memref<256xf32, #tpu.memory_space<vmem>>, vector<16xf32>,
    %swap3A_33 = arith.constant 80 : index
    %swap3A_34 = tpu.vector_load %arg7[%swap3A_33] {strides = array<i32>} : memref<256xf32, #tpu.memory_space<vmem>>, vector<16xf32>,
    tpu.vector_store %arg7[%swap3A_33], %broadcast_in_dim3A_3 {strides = array<i32>} : memref<256xf32, #tpu.memory_space<vmem>>, vector<16xf32>,
    %swap3A_35 = arith.constant 80 : index
    %swap3A_36 = tpu.vector_load %arg8[%swap3A_35] {strides = array<i32>} : memref<256xf32, #tpu.memory_space<vmem>>, vector<16xf32>,
    tpu.vector_store %arg8[%swap3A_35], %broadcast_in_dim3A_3 {strides = array<i32>} : memref<256xf32, #tpu.memory_space<vmem>>, vector<16xf32>,
    %swap3A_37 = arith.constant 80 : index
    %swap3A_38 = tpu.vector_load %arg9[%swap3A_37] {strides = array<i32>} : memref<256xf32, #tpu.memory_space<vmem>>, vector<16xf32>,
    tpu.vector_store %arg9[%swap3A_37], %broadcast_in_dim3A_3 {strides = array<i32>} : memref<256xf32, #tpu.memory_space<vmem>>, vector<16xf32>,
    %swap3A_39 = arith.constant 96 : index
    %swap3A_40 = tpu.vector_load %arg7[%swap3A_39] {strides = array<i32>} : memref<256xf32, #tpu.memory_space<vmem>>, vector<16xf32>,
    tpu.vector_store %arg7[%swap3A_39], %broadcast_in_dim3A_3 {strides = array<i32>} : memref<256xf32, #tpu.memory_space<vmem>>, vector<16xf32>,
    %swap3A_41 = arith.constant 96 : index
    %swap3A_42 = tpu.vector_load %arg8[%swap3A_41] {strides = array<i32>} : memref<256xf32, #tpu.memory_space<vmem>>, vector<16xf32>,
    tpu.vector_store %arg8[%swap3A_41], %broadcast_in_dim3A_3 {strides = array<i32>} : memref<256xf32, #tpu.memory_space<vmem>>, vector<16xf32>,
    %swap3A_43 = arith.constant 96 : index
    %swap3A_44 = tpu.vector_load %arg9[%swap3A_43] {strides = array<i32>} : memref<256xf32, #tpu.memory_space<vmem>>, vector<16xf32>,
    tpu.vector_store %arg9[%swap3A_43], %broadcast_in_dim3A_3 {strides = array<i32>} : memref<256xf32, #tpu.memory_space<vmem>>, vector<16xf32>,
    %swap3A_45 = arith.constant 112 : index
    %swap3A_46 = tpu.vector_load %arg7[%swap3A_45] {strides = array<i32>} : memref<256xf32, #tpu.memory_space<vmem>>, vector<16xf32>,
    tpu.vector_store %arg7[%swap3A_45], %broadcast_in_dim3A_3 {strides = array<i32>} : memref<256xf32, #tpu.memory_space<vmem>>, vector<16xf32>,
    %swap3A_47 = arith.constant 112 : index
    %swap3A_48 = tpu.vector_load %arg8[%swap3A_47] {strides = array<i32>} : memref<256xf32, #tpu.memory_space<vmem>>, vector<16xf32>,
    tpu.vector_store %arg8[%swap3A_47], %broadcast_in_dim3A_3 {strides = array<i32>} : memref<256xf32, #tpu.memory_space<vmem>>, vector<16xf32>,
    %swap3A_49 = arith.constant 112 : index
    %swap3A_50 = tpu.vector_load %arg9[%swap3A_49] {strides = array<i32>} : memref<256xf32, #tpu.memory_space<vmem>>, vector<16xf32>,
    tpu.vector_store %arg9[%swap3A_49], %broadcast_in_dim3A_3 {strides = array<i32>} : memref<256xf32, #tpu.memory_space<vmem>>, vector<16xf32>,
    %swap3A_51 = arith.constant 128 : index
    %swap3A_52 = tpu.vector_load %arg7[%swap3A_51] {strides = array<i32>} : memref<256xf32, #tpu.memory_space<vmem>>, vector<16xf32>,
    tpu.vector_store %arg7[%swap3A_51], %broadcast_in_dim3A_3 {strides = array<i32>} : memref<256xf32, #tpu.memory_space<vmem>>, vector<16xf32>,
    %swap3A_53 = arith.constant 128 : index
    %swap3A_54 = tpu.vector_load %arg8[%swap3A_53] {strides = array<i32>} : memref<256xf32, #tpu.memory_space<vmem>>, vector<16xf32>,
    tpu.vector_store %arg8[%swap3A_53], %broadcast_in_dim3A_3 {strides = array<i32>} : memref<256xf32, #tpu.memory_space<vmem>>, vector<16xf32>,
    %swap3A_55 = arith.constant 128 : index
    %swap3A_56 = tpu.vector_load %arg9[%swap3A_55] {strides = array<i32>} : memref<256xf32, #tpu.memory_space<vmem>>, vector<16xf32>,
    tpu.vector_store %arg9[%swap3A_55], %broadcast_in_dim3A_3 {strides = array<i32>} : memref<256xf32, #tpu.memory_space<vmem>>, vector<16xf32>,
    %swap3A_57 = arith.constant 144 : index
    %swap3A_58 = tpu.vector_load %arg7[%swap3A_57] {strides = array<i32>} : memref<256xf32, #tpu.memory_space<vmem>>, vector<16xf32>,
    tpu.vector_store %arg7[%swap3A_57], %broadcast_in_dim3A_3 {strides = array<i32>} : memref<256xf32, #tpu.memory_space<vmem>>, vector<16xf32>,
    %swap3A_59 = arith.constant 144 : index
    %swap3A_60 = tpu.vector_load %arg8[%swap3A_59] {strides = array<i32>} : memref<256xf32, #tpu.memory_space<vmem>>, vector<16xf32>,
    tpu.vector_store %arg8[%swap3A_59], %broadcast_in_dim3A_3 {strides = array<i32>} : memref<256xf32, #tpu.memory_space<vmem>>, vector<16xf32>,
    %swap3A_61 = arith.constant 144 : index
    %swap3A_62 = tpu.vector_load %arg9[%swap3A_61] {strides = array<i32>} : memref<256xf32, #tpu.memory_space<vmem>>, vector<16xf32>,
    tpu.vector_store %arg9[%swap3A_61], %broadcast_in_dim3A_3 {strides = array<i32>} : memref<256xf32, #tpu.memory_space<vmem>>, vector<16xf32>,
    %swap3A_63 = arith.constant 160 : index
    %swap3A_64 = tpu.vector_load %arg7[%swap3A_63] {strides = array<i32>} : memref<256xf32, #tpu.memory_space<vmem>>, vector<16xf32>,
    tpu.vector_store %arg7[%swap3A_63], %broadcast_in_dim3A_3 {strides = array<i32>} : memref<256xf32, #tpu.memory_space<vmem>>, vector<16xf32>,
    %swap3A_65 = arith.constant 160 : index
    %swap3A_66 = tpu.vector_load %arg8[%swap3A_65] {strides = array<i32>} : memref<256xf32, #tpu.memory_space<vmem>>, vector<16xf32>,
    tpu.vector_store %arg8[%swap3A_65], %broadcast_in_dim3A_3 {strides = array<i32>} : memref<256xf32, #tpu.memory_space<vmem>>, vector<16xf32>,
    %swap3A_67 = arith.constant 160 : index
    %swap3A_68 = tpu.vector_load %arg9[%swap3A_67] {strides = array<i32>} : memref<256xf32, #tpu.memory_space<vmem>>, vector<16xf32>,
    tpu.vector_store %arg9[%swap3A_67], %broadcast_in_dim3A_3 {strides = array<i32>} : memref<256xf32, #tpu.memory_space<vmem>>, vector<16xf32>,
    %swap3A_69 = arith.constant 176 : index
    %swap3A_70 = tpu.vector_load %arg7[%swap3A_69] {strides = array<i32>} : memref<256xf32, #tpu.memory_space<vmem>>, vector<16xf32>,
    tpu.vector_store %arg7[%swap3A_69], %broadcast_in_dim3A_3 {strides = array<i32>} : memref<256xf32, #tpu.memory_space<vmem>>, vector<16xf32>,
    %swap3A_71 = arith.constant 176 : index
    %swap3A_72 = tpu.vector_load %arg8[%swap3A_71] {strides = array<i32>} : memref<256xf32, #tpu.memory_space<vmem>>, vector<16xf32>,
    tpu.vector_store %arg8[%swap3A_71], %broadcast_in_dim3A_3 {strides = array<i32>} : memref<256xf32, #tpu.memory_space<vmem>>, vector<16xf32>,
    %swap3A_73 = arith.constant 176 : index
    %swap3A_74 = tpu.vector_load %arg9[%swap3A_73] {strides = array<i32>} : memref<256xf32, #tpu.memory_space<vmem>>, vector<16xf32>,
    tpu.vector_store %arg9[%swap3A_73], %broadcast_in_dim3A_3 {strides = array<i32>} : memref<256xf32, #tpu.memory_space<vmem>>, vector<16xf32>,
    %swap3A_75 = arith.constant 192 : index
    %swap3A_76 = tpu.vector_load %arg7[%swap3A_75] {strides = array<i32>} : memref<256xf32, #tpu.memory_space<vmem>>, vector<16xf32>,
    tpu.vector_store %arg7[%swap3A_75], %broadcast_in_dim3A_3 {strides = array<i32>} : memref<256xf32, #tpu.memory_space<vmem>>, vector<16xf32>,
    %swap3A_77 = arith.constant 192 : index
    %swap3A_78 = tpu.vector_load %arg8[%swap3A_77] {strides = array<i32>} : memref<256xf32, #tpu.memory_space<vmem>>, vector<16xf32>,
    tpu.vector_store %arg8[%swap3A_77], %broadcast_in_dim3A_3 {strides = array<i32>} : memref<256xf32, #tpu.memory_space<vmem>>, vector<16xf32>,
    %swap3A_79 = arith.constant 192 : index
    %swap3A_80 = tpu.vector_load %arg9[%swap3A_79] {strides = array<i32>} : memref<256xf32, #tpu.memory_space<vmem>>, vector<16xf32>,
    tpu.vector_store %arg9[%swap3A_79], %broadcast_in_dim3A_3 {strides = array<i32>} : memref<256xf32, #tpu.memory_space<vmem>>, vector<16xf32>,
    %swap3A_81 = arith.constant 208 : index
    %swap3A_82 = tpu.vector_load %arg7[%swap3A_81] {strides = array<i32>} : memref<256xf32, #tpu.memory_space<vmem>>, vector<16xf32>,
    tpu.vector_store %arg7[%swap3A_81], %broadcast_in_dim3A_3 {strides = array<i32>} : memref<256xf32, #tpu.memory_space<vmem>>, vector<16xf32>,
    %swap3A_83 = arith.constant 208 : index
    %swap3A_84 = tpu.vector_load %arg8[%swap3A_83] {strides = array<i32>} : memref<256xf32, #tpu.memory_space<vmem>>, vector<16xf32>,
    tpu.vector_store %arg8[%swap3A_83], %broadcast_in_dim3A_3 {strides = array<i32>} : memref<256xf32, #tpu.memory_space<vmem>>, vector<16xf32>,
    %swap3A_85 = arith.constant 208 : index
    %swap3A_86 = tpu.vector_load %arg9[%swap3A_85] {strides = array<i32>} : memref<256xf32, #tpu.memory_space<vmem>>, vector<16xf32>,
    tpu.vector_store %arg9[%swap3A_85], %broadcast_in_dim3A_3 {strides = array<i32>} : memref<256xf32, #tpu.memory_space<vmem>>, vector<16xf32>,
    %swap3A_87 = arith.constant 224 : index
    %swap3A_88 = tpu.vector_load %arg7[%swap3A_87] {strides = array<i32>} : memref<256xf32, #tpu.memory_space<vmem>>, vector<16xf32>,
    tpu.vector_store %arg7[%swap3A_87], %broadcast_in_dim3A_3 {strides = array<i32>} : memref<256xf32, #tpu.memory_space<vmem>>, vector<16xf32>,
    %swap3A_89 = arith.constant 224 : index
    %swap3A_90 = tpu.vector_load %arg8[%swap3A_89] {strides = array<i32>} : memref<256xf32, #tpu.memory_space<vmem>>, vector<16xf32>,
    tpu.vector_store %arg8[%swap3A_89], %broadcast_in_dim3A_3 {strides = array<i32>} : memref<256xf32, #tpu.memory_space<vmem>>, vector<16xf32>,
    %swap3A_91 = arith.constant 224 : index
    %swap3A_92 = tpu.vector_load %arg9[%swap3A_91] {strides = array<i32>} : memref<256xf32, #tpu.memory_space<vmem>>, vector<16xf32>,
    tpu.vector_store %arg9[%swap3A_91], %broadcast_in_dim3A_3 {strides = array<i32>} : memref<256xf32, #tpu.memory_space<vmem>>, vector<16xf32>,
    %swap3A_93 = arith.constant 240 : index
    %swap3A_94 = tpu.vector_load %arg7[%swap3A_93] {strides = array<i32>} : memref<256xf32, #tpu.memory_space<vmem>>, vector<16xf32>,
    tpu.vector_store %arg7[%swap3A_93], %broadcast_in_dim3A_3 {strides = array<i32>} : memref<256xf32, #tpu.memory_space<vmem>>, vector<16xf32>,
    %swap3A_95 = arith.constant 240 : index
    %swap3A_96 = tpu.vector_load %arg8[%swap3A_95] {strides = array<i32>} : memref<256xf32, #tpu.memory_space<vmem>>, vector<16xf32>,
    tpu.vector_store %arg8[%swap3A_95], %broadcast_in_dim3A_3 {strides = array<i32>} : memref<256xf32, #tpu.memory_space<vmem>>, vector<16xf32>,
    %swap3A_97 = arith.constant 240 : index
    %swap3A_98 = tpu.vector_load %arg9[%swap3A_97] {strides = array<i32>} : memref<256xf32, #tpu.memory_space<vmem>>, vector<16xf32>,
    tpu.vector_store %arg9[%swap3A_97], %broadcast_in_dim3A_3 {strides = array<i32>} : memref<256xf32, #tpu.memory_space<vmem>>, vector<16xf32>,
    %iota3A = tpu.iota {dimensions = array<i32: 0>} : vector<16xi32>
    %mul3A_99 = arith.constant 16 : i32
    %mul3A_100 = vector.broadcast %mul3A_99 : i32 to vector<16xi32>
    %mul3A_101 = arith.muli %iota3A, %mul3A_100 : vector<16xi32>
    %broadcast_in_dim3A_102 = arith.constant 1.000000e+00 : f32
    %broadcast_in_dim3A_103 = vector.broadcast %broadcast_in_dim3A_102 : f32 to vector<16xf32>
    %broadcast_in_dim3A_104 = arith.constant 1 : i32
    %broadcast_in_dim3A_105 = vector.broadcast %broadcast_in_dim3A_104 : i32 to vector<16xi32>
    %broadcast_in_dim3A_106 = arith.constant -1 : i32
    %broadcast_in_dim3A_107 = vector.broadcast %broadcast_in_dim3A_106 : i32 to vector<16xi32>
    %scan3A = arith.constant 0 : i32
    %scan3A_108 = arith.constant 0 : i32
    %scan3A_109 = arith.constant 1954 : i32
    %scan3A_110 = arith.addi %scan3A_108, %scan3A_109 : i32
    %scan3A_111 = arith.constant 1 : i32
    scf.for %scan3A_259 = %scan3A_108 to %scan3A_110 step %scan3A_111  : i32 {
      %mul3A_260 = arith.constant 16 : i32
      %mul3A_261 = arith.muli %scan3A_259, %mul3A_260 : i32
      %get3A_262 = arith.index_cast %mul3A_261 : i32 to index
      %get3A_263 = tpu.vector_load %arg5[%get3A_262] {strides = array<i32>} : memref<31264xf32, #tpu.memory_space<vmem>>, vector<16xf32>,
      %mul3A_264 = arith.constant 16 : i32
      %mul3A_265 = arith.muli %scan3A_259, %mul3A_264 : i32
      %get3A_266 = arith.index_cast %mul3A_265 : i32 to index
      %get3A_267 = tpu.vector_load %arg6[%get3A_266] {strides = array<i32>} : memref<31264xf32, #tpu.memory_space<vmem>>, vector<16xf32>,
      %mul3A_268 = arith.constant 2.500000e-01 : f32
      %mul3A_269 = vector.broadcast %mul3A_268 : f32 to vector<16xf32>
      %mul3A_270 = arith.mulf %get3A_263, %mul3A_269 : vector<16xf32>
      %convert_element_type3A = arith.fptosi %mul3A_270 : vector<16xf32> to vector<16xi32>
      %convert_element_type3A_271 = arith.sitofp %convert_element_type3A : vector<16xi32> to vector<16xf32>
      %mul3A_272 = arith.constant 4.000000e+00 : f32
      %mul3A_273 = vector.broadcast %mul3A_272 : f32 to vector<16xf32>
      %mul3A_274 = arith.mulf %convert_element_type3A_271, %mul3A_273 : vector<16xf32>
      %sub3A = arith.subf %get3A_263, %mul3A_274 : vector<16xf32>
      %eq3A = arith.cmpf oeq, %convert_element_type3A_271, %get3A_267 : vector<16xf32>
      %select_n3A = arith.select %eq3A, %broadcast_in_dim3A_103, %broadcast_in_dim3A_3 : vector<16xi1>, vector<16xf32>
      %gt3A = arith.constant 0.000000e+00 : f32
      %gt3A_275 = vector.broadcast %gt3A : f32 to vector<16xf32>
      %gt3A_276 = arith.cmpf ogt, %sub3A, %gt3A_275 : vector<16xf32>
      %jit3A = arith.constant 0 : i32
      %broadcast_in_dim3A_277 = vector.broadcast %jit3A : i32 to vector<16xi32>
      %select_n3A_278 = arith.select %gt3A_276, %broadcast_in_dim3A_105, %broadcast_in_dim3A_277 : vector<16xi1>, vector<16xi32>
      %add3A_279 = arith.addi %broadcast_in_dim3A_107, %select_n3A_278 : vector<16xi32>
      %gt3A_280 = arith.constant 0.0666666701 : f32
      %gt3A_281 = vector.broadcast %gt3A_280 : f32 to vector<16xf32>
      %gt3A_282 = arith.cmpf ogt, %sub3A, %gt3A_281 : vector<16xf32>
      %jit3A_283 = arith.constant 0 : i32
      %broadcast_in_dim3A_284 = vector.broadcast %jit3A_283 : i32 to vector<16xi32>
      %select_n3A_285 = arith.select %gt3A_282, %broadcast_in_dim3A_105, %broadcast_in_dim3A_284 : vector<16xi1>, vector<16xi32>
      %add3A_286 = arith.addi %add3A_279, %select_n3A_285 : vector<16xi32>
      %gt3A_287 = arith.constant 0.13333334 : f32
      %gt3A_288 = vector.broadcast %gt3A_287 : f32 to vector<16xf32>
      %gt3A_289 = arith.cmpf ogt, %sub3A, %gt3A_288 : vector<16xf32>
      %jit3A_290 = arith.constant 0 : i32
      %broadcast_in_dim3A_291 = vector.broadcast %jit3A_290 : i32 to vector<16xi32>
      %select_n3A_292 = arith.select %gt3A_289, %broadcast_in_dim3A_105, %broadcast_in_dim3A_291 : vector<16xi1>, vector<16xi32>
      %add3A_293 = arith.addi %add3A_286, %select_n3A_292 : vector<16xi32>
      %gt3A_294 = arith.constant 2.000000e-01 : f32
      %gt3A_295 = vector.broadcast %gt3A_294 : f32 to vector<16xf32>
      %gt3A_296 = arith.cmpf ogt, %sub3A, %gt3A_295 : vector<16xf32>
      %jit3A_297 = arith.constant 0 : i32
      %broadcast_in_dim3A_298 = vector.broadcast %jit3A_297 : i32 to vector<16xi32>
      %select_n3A_299 = arith.select %gt3A_296, %broadcast_in_dim3A_105, %broadcast_in_dim3A_298 : vector<16xi1>, vector<16xi32>
      %add3A_300 = arith.addi %add3A_293, %select_n3A_299 : vector<16xi32>
      %gt3A_301 = arith.constant 0.266666681 : f32
      %gt3A_302 = vector.broadcast %gt3A_301 : f32 to vector<16xf32>
      %gt3A_303 = arith.cmpf ogt, %sub3A, %gt3A_302 : vector<16xf32>
      %jit3A_304 = arith.constant 0 : i32
      %broadcast_in_dim3A_305 = vector.broadcast %jit3A_304 : i32 to vector<16xi32>
      %select_n3A_306 = arith.select %gt3A_303, %broadcast_in_dim3A_105, %broadcast_in_dim3A_305 : vector<16xi1>, vector<16xi32>
      %add3A_307 = arith.addi %add3A_300, %select_n3A_306 : vector<16xi32>
      %gt3A_308 = arith.constant 0.333333343 : f32
      %gt3A_309 = vector.broadcast %gt3A_308 : f32 to vector<16xf32>
      %gt3A_310 = arith.cmpf ogt, %sub3A, %gt3A_309 : vector<16xf32>
      %jit3A_311 = arith.constant 0 : i32
      %broadcast_in_dim3A_312 = vector.broadcast %jit3A_311 : i32 to vector<16xi32>
      %select_n3A_313 = arith.select %gt3A_310, %broadcast_in_dim3A_105, %broadcast_in_dim3A_312 : vector<16xi1>, vector<16xi32>
      %add3A_314 = arith.addi %add3A_307, %select_n3A_313 : vector<16xi32>
      %gt3A_315 = arith.constant 4.000000e-01 : f32
      %gt3A_316 = vector.broadcast %gt3A_315 : f32 to vector<16xf32>
      %gt3A_317 = arith.cmpf ogt, %sub3A, %gt3A_316 : vector<16xf32>
      %jit3A_318 = arith.constant 0 : i32
      %broadcast_in_dim3A_319 = vector.broadcast %jit3A_318 : i32 to vector<16xi32>
      %select_n3A_320 = arith.select %gt3A_317, %broadcast_in_dim3A_105, %broadcast_in_dim3A_319 : vector<16xi1>, vector<16xi32>
      %add3A_321 = arith.addi %add3A_314, %select_n3A_320 : vector<16xi32>
      %gt3A_322 = arith.constant 0.466666669 : f32
      %gt3A_323 = vector.broadcast %gt3A_322 : f32 to vector<16xf32>
      %gt3A_324 = arith.cmpf ogt, %sub3A, %gt3A_323 : vector<16xf32>
      %jit3A_325 = arith.constant 0 : i32
      %broadcast_in_dim3A_326 = vector.broadcast %jit3A_325 : i32 to vector<16xi32>
      %select_n3A_327 = arith.select %gt3A_324, %broadcast_in_dim3A_105, %broadcast_in_dim3A_326 : vector<16xi1>, vector<16xi32>
      %add3A_328 = arith.addi %add3A_321, %select_n3A_327 : vector<16xi32>
      %gt3A_329 = arith.constant 0.533333361 : f32
      %gt3A_330 = vector.broadcast %gt3A_329 : f32 to vector<16xf32>
      %gt3A_331 = arith.cmpf ogt, %sub3A, %gt3A_330 : vector<16xf32>
      %jit3A_332 = arith.constant 0 : i32
      %broadcast_in_dim3A_333 = vector.broadcast %jit3A_332 : i32 to vector<16xi32>
      %select_n3A_334 = arith.select %gt3A_331, %broadcast_in_dim3A_105, %broadcast_in_dim3A_333 : vector<16xi1>, vector<16xi32>
      %add3A_335 = arith.addi %add3A_328, %select_n3A_334 : vector<16xi32>
      %gt3A_336 = arith.constant 6.000000e-01 : f32
      %gt3A_337 = vector.broadcast %gt3A_336 : f32 to vector<16xf32>
      %gt3A_338 = arith.cmpf ogt, %sub3A, %gt3A_337 : vector<16xf32>
      %jit3A_339 = arith.constant 0 : i32
      %broadcast_in_dim3A_340 = vector.broadcast %jit3A_339 : i32 to vector<16xi32>
      %select_n3A_341 = arith.select %gt3A_338, %broadcast_in_dim3A_105, %broadcast_in_dim3A_340 : vector<16xi1>, vector<16xi32>
      %add3A_342 = arith.addi %add3A_335, %select_n3A_341 : vector<16xi32>
      %gt3A_343 = arith.constant 0.666666686 : f32
      %gt3A_344 = vector.broadcast %gt3A_343 : f32 to vector<16xf32>
      %gt3A_345 = arith.cmpf ogt, %sub3A, %gt3A_344 : vector<16xf32>
      %jit3A_346 = arith.constant 0 : i32
      %broadcast_in_dim3A_347 = vector.broadcast %jit3A_346 : i32 to vector<16xi32>
      %select_n3A_348 = arith.select %gt3A_345, %broadcast_in_dim3A_105, %broadcast_in_dim3A_347 : vector<16xi1>, vector<16xi32>
      %add3A_349 = arith.addi %add3A_342, %select_n3A_348 : vector<16xi32>
      %gt3A_350 = arith.constant 0.733333349 : f32
      %gt3A_351 = vector.broadcast %gt3A_350 : f32 to vector<16xf32>
      %gt3A_352 = arith.cmpf ogt, %sub3A, %gt3A_351 : vector<16xf32>
      %jit3A_353 = arith.constant 0 : i32
      %broadcast_in_dim3A_354 = vector.broadcast %jit3A_353 : i32 to vector<16xi32>
      %select_n3A_355 = arith.select %gt3A_352, %broadcast_in_dim3A_105, %broadcast_in_dim3A_354 : vector<16xi1>, vector<16xi32>
      %add3A_356 = arith.addi %add3A_349, %select_n3A_355 : vector<16xi32>
      %gt3A_357 = arith.constant 8.000000e-01 : f32
      %gt3A_358 = vector.broadcast %gt3A_357 : f32 to vector<16xf32>
      %gt3A_359 = arith.cmpf ogt, %sub3A, %gt3A_358 : vector<16xf32>
      %jit3A_360 = arith.constant 0 : i32
      %broadcast_in_dim3A_361 = vector.broadcast %jit3A_360 : i32 to vector<16xi32>
      %select_n3A_362 = arith.select %gt3A_359, %broadcast_in_dim3A_105, %broadcast_in_dim3A_361 : vector<16xi1>, vector<16xi32>
      %add3A_363 = arith.addi %add3A_356, %select_n3A_362 : vector<16xi32>
      %gt3A_364 = arith.constant 0.866666674 : f32
      %gt3A_365 = vector.broadcast %gt3A_364 : f32 to vector<16xf32>
      %gt3A_366 = arith.cmpf ogt, %sub3A, %gt3A_365 : vector<16xf32>
      %jit3A_367 = arith.constant 0 : i32
      %broadcast_in_dim3A_368 = vector.broadcast %jit3A_367 : i32 to vector<16xi32>
      %select_n3A_369 = arith.select %gt3A_366, %broadcast_in_dim3A_105, %broadcast_in_dim3A_368 : vector<16xi1>, vector<16xi32>
      %add3A_370 = arith.addi %add3A_363, %select_n3A_369 : vector<16xi32>
      %gt3A_371 = arith.constant 0.933333337 : f32
      %gt3A_372 = vector.broadcast %gt3A_371 : f32 to vector<16xf32>
      %gt3A_373 = arith.cmpf ogt, %sub3A, %gt3A_372 : vector<16xf32>
      %jit3A_374 = arith.constant 0 : i32
      %broadcast_in_dim3A_375 = vector.broadcast %jit3A_374 : i32 to vector<16xi32>
      %select_n3A_376 = arith.select %gt3A_373, %broadcast_in_dim3A_105, %broadcast_in_dim3A_375 : vector<16xi1>, vector<16xi32>
      %add3A_377 = arith.addi %add3A_370, %select_n3A_376 : vector<16xi32>
      %and3A = arith.constant 15 : i32
      %and3A_378 = vector.broadcast %and3A : i32 to vector<16xi32>
      %and3A_379 = arith.andi %add3A_377, %and3A_378 : vector<16xi32>
      %add3A_380 = arith.addi %and3A_379, %mul3A_101 : vector<16xi32>
      tpu.vector_store_idx %arg7[%add3A_380], %broadcast_in_dim3A_103 {add = true} : memref<256xf32, #tpu.memory_space<vmem>>[vector<16xi32>], vector<16xf32>,
      tpu.vector_store_idx %arg8[%add3A_380], %sub3A {add = true} : memref<256xf32, #tpu.memory_space<vmem>>[vector<16xi32>], vector<16xf32>,
      tpu.vector_store_idx %arg9[%add3A_380], %select_n3A {add = true} : memref<256xf32, #tpu.memory_space<vmem>>[vector<16xi32>], vector<16xf32>,
    }
    %scan3A_112 = arith.constant 1954 : i32
    %get3A = arith.constant 0 : index
    %get3A_113 = tpu.vector_load %arg7[%get3A] {strides = array<i32>} : memref<256xf32, #tpu.memory_space<vmem>>, vector<16xf32>,
    %get3A_114 = arith.constant 0 : index
    %get3A_115 = tpu.vector_load %arg8[%get3A_114] {strides = array<i32>} : memref<256xf32, #tpu.memory_space<vmem>>, vector<16xf32>,
    %get3A_116 = arith.constant 0 : index
    %get3A_117 = tpu.vector_load %arg9[%get3A_116] {strides = array<i32>} : memref<256xf32, #tpu.memory_space<vmem>>, vector<16xf32>,
    %get3A_118 = arith.constant 16 : index
    %get3A_119 = tpu.vector_load %arg7[%get3A_118] {strides = array<i32>} : memref<256xf32, #tpu.memory_space<vmem>>, vector<16xf32>,
    %add3A_120 = arith.addf %get3A_113, %get3A_119 : vector<16xf32>
    %get3A_121 = arith.constant 16 : index
    %get3A_122 = tpu.vector_load %arg8[%get3A_121] {strides = array<i32>} : memref<256xf32, #tpu.memory_space<vmem>>, vector<16xf32>,
    %add3A_123 = arith.addf %get3A_115, %get3A_122 : vector<16xf32>
    %get3A_124 = arith.constant 16 : index
    %get3A_125 = tpu.vector_load %arg9[%get3A_124] {strides = array<i32>} : memref<256xf32, #tpu.memory_space<vmem>>, vector<16xf32>,
    %add3A_126 = arith.addf %get3A_117, %get3A_125 : vector<16xf32>
    %get3A_127 = arith.constant 32 : index
    %get3A_128 = tpu.vector_load %arg7[%get3A_127] {strides = array<i32>} : memref<256xf32, #tpu.memory_space<vmem>>, vector<16xf32>,
    %add3A_129 = arith.addf %add3A_120, %get3A_128 : vector<16xf32>
    %get3A_130 = arith.constant 32 : index
    %get3A_131 = tpu.vector_load %arg8[%get3A_130] {strides = array<i32>} : memref<256xf32, #tpu.memory_space<vmem>>, vector<16xf32>,
    %add3A_132 = arith.addf %add3A_123, %get3A_131 : vector<16xf32>
    %get3A_133 = arith.constant 32 : index
    %get3A_134 = tpu.vector_load %arg9[%get3A_133] {strides = array<i32>} : memref<256xf32, #tpu.memory_space<vmem>>, vector<16xf32>,
    %add3A_135 = arith.addf %add3A_126, %get3A_134 : vector<16xf32>
    %get3A_136 = arith.constant 48 : index
    %get3A_137 = tpu.vector_load %arg7[%get3A_136] {strides = array<i32>} : memref<256xf32, #tpu.memory_space<vmem>>, vector<16xf32>,
    %add3A_138 = arith.addf %add3A_129, %get3A_137 : vector<16xf32>
    %get3A_139 = arith.constant 48 : index
    %get3A_140 = tpu.vector_load %arg8[%get3A_139] {strides = array<i32>} : memref<256xf32, #tpu.memory_space<vmem>>, vector<16xf32>,
    %add3A_141 = arith.addf %add3A_132, %get3A_140 : vector<16xf32>
    %get3A_142 = arith.constant 48 : index
    %get3A_143 = tpu.vector_load %arg9[%get3A_142] {strides = array<i32>} : memref<256xf32, #tpu.memory_space<vmem>>, vector<16xf32>,
    %add3A_144 = arith.addf %add3A_135, %get3A_143 : vector<16xf32>
    %get3A_145 = arith.constant 64 : index
    %get3A_146 = tpu.vector_load %arg7[%get3A_145] {strides = array<i32>} : memref<256xf32, #tpu.memory_space<vmem>>, vector<16xf32>,
    %add3A_147 = arith.addf %add3A_138, %get3A_146 : vector<16xf32>
    %get3A_148 = arith.constant 64 : index
    %get3A_149 = tpu.vector_load %arg8[%get3A_148] {strides = array<i32>} : memref<256xf32, #tpu.memory_space<vmem>>, vector<16xf32>,
    %add3A_150 = arith.addf %add3A_141, %get3A_149 : vector<16xf32>
    %get3A_151 = arith.constant 64 : index
    %get3A_152 = tpu.vector_load %arg9[%get3A_151] {strides = array<i32>} : memref<256xf32, #tpu.memory_space<vmem>>, vector<16xf32>,
    %add3A_153 = arith.addf %add3A_144, %get3A_152 : vector<16xf32>
    %get3A_154 = arith.constant 80 : index
    %get3A_155 = tpu.vector_load %arg7[%get3A_154] {strides = array<i32>} : memref<256xf32, #tpu.memory_space<vmem>>, vector<16xf32>,
    %add3A_156 = arith.addf %add3A_147, %get3A_155 : vector<16xf32>
    %get3A_157 = arith.constant 80 : index
    %get3A_158 = tpu.vector_load %arg8[%get3A_157] {strides = array<i32>} : memref<256xf32, #tpu.memory_space<vmem>>, vector<16xf32>,
    %add3A_159 = arith.addf %add3A_150, %get3A_158 : vector<16xf32>
    %get3A_160 = arith.constant 80 : index
    %get3A_161 = tpu.vector_load %arg9[%get3A_160] {strides = array<i32>} : memref<256xf32, #tpu.memory_space<vmem>>, vector<16xf32>,
    %add3A_162 = arith.addf %add3A_153, %get3A_161 : vector<16xf32>
    %get3A_163 = arith.constant 96 : index
    %get3A_164 = tpu.vector_load %arg7[%get3A_163] {strides = array<i32>} : memref<256xf32, #tpu.memory_space<vmem>>, vector<16xf32>,
    %add3A_165 = arith.addf %add3A_156, %get3A_164 : vector<16xf32>
    %get3A_166 = arith.constant 96 : index
    %get3A_167 = tpu.vector_load %arg8[%get3A_166] {strides = array<i32>} : memref<256xf32, #tpu.memory_space<vmem>>, vector<16xf32>,
    %add3A_168 = arith.addf %add3A_159, %get3A_167 : vector<16xf32>
    %get3A_169 = arith.constant 96 : index
    %get3A_170 = tpu.vector_load %arg9[%get3A_169] {strides = array<i32>} : memref<256xf32, #tpu.memory_space<vmem>>, vector<16xf32>,
    %add3A_171 = arith.addf %add3A_162, %get3A_170 : vector<16xf32>
    %get3A_172 = arith.constant 112 : index
    %get3A_173 = tpu.vector_load %arg7[%get3A_172] {strides = array<i32>} : memref<256xf32, #tpu.memory_space<vmem>>, vector<16xf32>,
    %add3A_174 = arith.addf %add3A_165, %get3A_173 : vector<16xf32>
    %get3A_175 = arith.constant 112 : index
    %get3A_176 = tpu.vector_load %arg8[%get3A_175] {strides = array<i32>} : memref<256xf32, #tpu.memory_space<vmem>>, vector<16xf32>,
    %add3A_177 = arith.addf %add3A_168, %get3A_176 : vector<16xf32>
    %get3A_178 = arith.constant 112 : index
    %get3A_179 = tpu.vector_load %arg9[%get3A_178] {strides = array<i32>} : memref<256xf32, #tpu.memory_space<vmem>>, vector<16xf32>,
    %add3A_180 = arith.addf %add3A_171, %get3A_179 : vector<16xf32>
    %get3A_181 = arith.constant 128 : index
    %get3A_182 = tpu.vector_load %arg7[%get3A_181] {strides = array<i32>} : memref<256xf32, #tpu.memory_space<vmem>>, vector<16xf32>,
    %add3A_183 = arith.addf %add3A_174, %get3A_182 : vector<16xf32>
    %get3A_184 = arith.constant 128 : index
    %get3A_185 = tpu.vector_load %arg8[%get3A_184] {strides = array<i32>} : memref<256xf32, #tpu.memory_space<vmem>>, vector<16xf32>,
    %add3A_186 = arith.addf %add3A_177, %get3A_185 : vector<16xf32>
    %get3A_187 = arith.constant 128 : index
    %get3A_188 = tpu.vector_load %arg9[%get3A_187] {strides = array<i32>} : memref<256xf32, #tpu.memory_space<vmem>>, vector<16xf32>,
    %add3A_189 = arith.addf %add3A_180, %get3A_188 : vector<16xf32>
    %get3A_190 = arith.constant 144 : index
    %get3A_191 = tpu.vector_load %arg7[%get3A_190] {strides = array<i32>} : memref<256xf32, #tpu.memory_space<vmem>>, vector<16xf32>,
    %add3A_192 = arith.addf %add3A_183, %get3A_191 : vector<16xf32>
    %get3A_193 = arith.constant 144 : index
    %get3A_194 = tpu.vector_load %arg8[%get3A_193] {strides = array<i32>} : memref<256xf32, #tpu.memory_space<vmem>>, vector<16xf32>,
    %add3A_195 = arith.addf %add3A_186, %get3A_194 : vector<16xf32>
    %get3A_196 = arith.constant 144 : index
    %get3A_197 = tpu.vector_load %arg9[%get3A_196] {strides = array<i32>} : memref<256xf32, #tpu.memory_space<vmem>>, vector<16xf32>,
    %add3A_198 = arith.addf %add3A_189, %get3A_197 : vector<16xf32>
    %get3A_199 = arith.constant 160 : index
    %get3A_200 = tpu.vector_load %arg7[%get3A_199] {strides = array<i32>} : memref<256xf32, #tpu.memory_space<vmem>>, vector<16xf32>,
    %add3A_201 = arith.addf %add3A_192, %get3A_200 : vector<16xf32>
    %get3A_202 = arith.constant 160 : index
    %get3A_203 = tpu.vector_load %arg8[%get3A_202] {strides = array<i32>} : memref<256xf32, #tpu.memory_space<vmem>>, vector<16xf32>,
    %add3A_204 = arith.addf %add3A_195, %get3A_203 : vector<16xf32>
    %get3A_205 = arith.constant 160 : index
    %get3A_206 = tpu.vector_load %arg9[%get3A_205] {strides = array<i32>} : memref<256xf32, #tpu.memory_space<vmem>>, vector<16xf32>,
    %add3A_207 = arith.addf %add3A_198, %get3A_206 : vector<16xf32>
    %get3A_208 = arith.constant 176 : index
    %get3A_209 = tpu.vector_load %arg7[%get3A_208] {strides = array<i32>} : memref<256xf32, #tpu.memory_space<vmem>>, vector<16xf32>,
    %add3A_210 = arith.addf %add3A_201, %get3A_209 : vector<16xf32>
    %get3A_211 = arith.constant 176 : index
    %get3A_212 = tpu.vector_load %arg8[%get3A_211] {strides = array<i32>} : memref<256xf32, #tpu.memory_space<vmem>>, vector<16xf32>,
    %add3A_213 = arith.addf %add3A_204, %get3A_212 : vector<16xf32>
    %get3A_214 = arith.constant 176 : index
    %get3A_215 = tpu.vector_load %arg9[%get3A_214] {strides = array<i32>} : memref<256xf32, #tpu.memory_space<vmem>>, vector<16xf32>,
    %add3A_216 = arith.addf %add3A_207, %get3A_215 : vector<16xf32>
    %get3A_217 = arith.constant 192 : index
    %get3A_218 = tpu.vector_load %arg7[%get3A_217] {strides = array<i32>} : memref<256xf32, #tpu.memory_space<vmem>>, vector<16xf32>,
    %add3A_219 = arith.addf %add3A_210, %get3A_218 : vector<16xf32>
    %get3A_220 = arith.constant 192 : index
    %get3A_221 = tpu.vector_load %arg8[%get3A_220] {strides = array<i32>} : memref<256xf32, #tpu.memory_space<vmem>>, vector<16xf32>,
    %add3A_222 = arith.addf %add3A_213, %get3A_221 : vector<16xf32>
    %get3A_223 = arith.constant 192 : index
    %get3A_224 = tpu.vector_load %arg9[%get3A_223] {strides = array<i32>} : memref<256xf32, #tpu.memory_space<vmem>>, vector<16xf32>,
    %add3A_225 = arith.addf %add3A_216, %get3A_224 : vector<16xf32>
    %get3A_226 = arith.constant 208 : index
    %get3A_227 = tpu.vector_load %arg7[%get3A_226] {strides = array<i32>} : memref<256xf32, #tpu.memory_space<vmem>>, vector<16xf32>,
    %add3A_228 = arith.addf %add3A_219, %get3A_227 : vector<16xf32>
    %get3A_229 = arith.constant 208 : index
    %get3A_230 = tpu.vector_load %arg8[%get3A_229] {strides = array<i32>} : memref<256xf32, #tpu.memory_space<vmem>>, vector<16xf32>,
    %add3A_231 = arith.addf %add3A_222, %get3A_230 : vector<16xf32>
    %get3A_232 = arith.constant 208 : index
    %get3A_233 = tpu.vector_load %arg9[%get3A_232] {strides = array<i32>} : memref<256xf32, #tpu.memory_space<vmem>>, vector<16xf32>,
    %add3A_234 = arith.addf %add3A_225, %get3A_233 : vector<16xf32>
    %get3A_235 = arith.constant 224 : index
    %get3A_236 = tpu.vector_load %arg7[%get3A_235] {strides = array<i32>} : memref<256xf32, #tpu.memory_space<vmem>>, vector<16xf32>,
    %add3A_237 = arith.addf %add3A_228, %get3A_236 : vector<16xf32>
    %get3A_238 = arith.constant 224 : index
    %get3A_239 = tpu.vector_load %arg8[%get3A_238] {strides = array<i32>} : memref<256xf32, #tpu.memory_space<vmem>>, vector<16xf32>,
    %add3A_240 = arith.addf %add3A_231, %get3A_239 : vector<16xf32>
    %get3A_241 = arith.constant 224 : index
    %get3A_242 = tpu.vector_load %arg9[%get3A_241] {strides = array<i32>} : memref<256xf32, #tpu.memory_space<vmem>>, vector<16xf32>,
    %add3A_243 = arith.addf %add3A_234, %get3A_242 : vector<16xf32>
    %get3A_244 = arith.constant 240 : index
    %get3A_245 = tpu.vector_load %arg7[%get3A_244] {strides = array<i32>} : memref<256xf32, #tpu.memory_space<vmem>>, vector<16xf32>,
    %add3A_246 = arith.addf %add3A_237, %get3A_245 : vector<16xf32>
    %get3A_247 = arith.constant 240 : index
    %get3A_248 = tpu.vector_load %arg8[%get3A_247] {strides = array<i32>} : memref<256xf32, #tpu.memory_space<vmem>>, vector<16xf32>,
    %add3A_249 = arith.addf %add3A_240, %get3A_248 : vector<16xf32>
    %get3A_250 = arith.constant 240 : index
    %get3A_251 = tpu.vector_load %arg9[%get3A_250] {strides = array<i32>} : memref<256xf32, #tpu.memory_space<vmem>>, vector<16xf32>,
    %add3A_252 = arith.addf %add3A_243, %get3A_251 : vector<16xf32>
    %swap3A_253 = arith.constant 0 : index
    %swap3A_254 = tpu.vector_load %arg10[%swap3A_253] {strides = array<i32>} : memref<48xf32, #tpu.memory_space<vmem>>, vector<16xf32>,
    tpu.vector_store %arg10[%swap3A_253], %add3A_246 {strides = array<i32>} : memref<48xf32, #tpu.memory_space<vmem>>, vector<16xf32>,
    %swap3A_255 = arith.constant 16 : index
    %swap3A_256 = tpu.vector_load %arg10[%swap3A_255] {strides = array<i32>} : memref<48xf32, #tpu.memory_space<vmem>>, vector<16xf32>,
    tpu.vector_store %arg10[%swap3A_255], %add3A_249 {strides = array<i32>} : memref<48xf32, #tpu.memory_space<vmem>>, vector<16xf32>,
    %swap3A_257 = arith.constant 32 : index
    %swap3A_258 = tpu.vector_load %arg10[%swap3A_257] {strides = array<i32>} : memref<48xf32, #tpu.memory_space<vmem>>, vector<16xf32>,
    tpu.vector_store %arg10[%swap3A_257], %add3A_252 {strides = array<i32>} : memref<48xf32, #tpu.memory_space<vmem>>, vector<16xf32>,
    "tpu.region"() ({
      %run_scoped3A = tpu.sem_alloc : memref<!tpu.dma_semaphore, #tpu.memory_space<semaphore_mem>>
      %dma_start3A = arith.constant 0 : i32
      %dma_start3A_259 = tpu.memref_slice %arg4[%add3A, %dma_start3A] : memref<32x48xf32, #tpu.memory_space<hbm>> -> memref<1x48xf32, #tpu.memory_space<hbm>>
      %dma_start3A_260 = tpu.memref_squeeze %dma_start3A_259 : memref<1x48xf32, #tpu.memory_space<hbm>> -> memref<48xf32, #tpu.memory_space<hbm>>
      %dma_start3A_261 = arith.constant 0 : i32
      %dma_start3A_262 = tpu.memref_slice %arg4[%add3A, %dma_start3A_261] : memref<32x48xf32, #tpu.memory_space<hbm>> -> memref<1x48xf32, #tpu.memory_space<hbm>>
      %dma_start3A_263 = tpu.memref_squeeze %dma_start3A_262 : memref<1x48xf32, #tpu.memory_space<hbm>> -> memref<48xf32, #tpu.memory_space<hbm>>
      tpu.enqueue_dma source(%arg10 : memref<48xf32, #tpu.memory_space<vmem>>) target(%dma_start3A_263 : memref<48xf32, #tpu.memory_space<hbm>>) target_semaphore(%run_scoped3A : memref<!tpu.dma_semaphore, #tpu.memory_space<semaphore_mem>>)
      %dma_wait3A = arith.constant 0 : i32
      %dma_wait3A_264 = tpu.memref_slice %arg4[%add3A, %dma_wait3A] : memref<32x48xf32, #tpu.memory_space<hbm>> -> memref<1x48xf32, #tpu.memory_space<hbm>>
      %dma_wait3A_265 = tpu.memref_squeeze %dma_wait3A_264 : memref<1x48xf32, #tpu.memory_space<hbm>> -> memref<48xf32, #tpu.memory_space<hbm>>
      %dma_wait3A_266 = arith.constant 0 : i32
      %dma_wait3A_267 = tpu.memref_slice %arg4[%add3A, %dma_wait3A_266] : memref<32x48xf32, #tpu.memory_space<hbm>> -> memref<1x48xf32, #tpu.memory_space<hbm>>
      %dma_wait3A_268 = tpu.memref_squeeze %dma_wait3A_267 : memref<1x48xf32, #tpu.memory_space<hbm>> -> memref<48xf32, #tpu.memory_space<hbm>>
      tpu.wait_dma2 semaphore(%run_scoped3A : memref<!tpu.dma_semaphore, #tpu.memory_space<semaphore_mem>>) src(%arg10 : memref<48xf32, #tpu.memory_space<vmem>>) dst(%dma_wait3A_268 : memref<48xf32, #tpu.memory_space<hbm>>)
      tpu.yield
    }) : () -> ()
    return
  }
}

module attributes {stable_mosaic.version = 14 : i64} {
  func.func @_conf_body(%arg0: i32, %arg1: memref<4000x100xf32, #tpu.memory_space<vmem>>, %arg2: memref<100x1xf32, #tpu.memory_space<vmem>>, %arg3: memref<1x1x4000xf32, #tpu.memory_space<vmem>>) attributes {dimension_semantics = [#tpu.dimension_semantics<parallel>], iteration_bounds = array<i64: 250>, scalar_prefetch = 0 : i64, scratch_operands = 0 : i64, tpu.core_type = #tpu.core_type<tc>, window_params = [{transform_indices = @transform_0, window_bounds = array<i64: 4000, 100>}, {pipeline_mode = #tpu.pipeline_mode<synchronous>, transform_indices = @transform_1, window_bounds = array<i64: 100, 1>}, {transform_indices = @transform_2, window_bounds = array<i64: 1, 1, 4000>}]} {
    %get3A = arith.constant 0 : index
    %get3A_0 = arith.constant 0 : index
    %get3A_1 = vector.load %arg1[%get3A, %get3A_0] : memref<4000x100xf32, #tpu.memory_space<vmem>>, vector<4000x100xf32>
    %exp3A = math.exp %get3A_1 : vector<4000x100xf32>
    %reduce_max3A = arith.constant dense<0xFF800000> : vector<4000xf32>
    %reduce_max3A_2 = vector.multi_reduction <maximumf>, %exp3A, %reduce_max3A [1] : vector<4000x100xf32> to vector<4000xf32>
    %broadcast_in_dim3A = vector.shape_cast %reduce_max3A_2 : vector<4000xf32> to vector<4000x1xf32>
    %reduce_sum3A = arith.constant dense<0.000000e+00> : vector<4000xf32>
    %reduce_sum3A_3 = vector.multi_reduction <add>, %exp3A, %reduce_sum3A [1] : vector<4000x100xf32> to vector<4000xf32>
    %broadcast_in_dim3A_4 = vector.shape_cast %reduce_sum3A_3 : vector<4000xf32> to vector<4000x1xf32>
    %eq3A = vector.broadcast %broadcast_in_dim3A : vector<4000x1xf32> to vector<4000x100xf32>
    %eq3A_5 = arith.cmpf oeq, %exp3A, %eq3A : vector<4000x100xf32>
    %jit3A = arith.constant 1.000000e+00 : f32
    %jit3A_6 = arith.constant 0.000000e+00 : f32
    %broadcast_in_dim3A_7 = vector.broadcast %jit3A : f32 to vector<4000x100xf32>
    %broadcast_in_dim3A_8 = vector.broadcast %jit3A_6 : f32 to vector<4000x100xf32>
    %select_n3A = arith.select %eq3A_5, %broadcast_in_dim3A_7, %broadcast_in_dim3A_8 : vector<4000x100xi1>, vector<4000x100xf32>
    %get3A_9 = arith.constant 0 : index
    %get3A_10 = arith.constant 0 : index
    %get3A_11 = vector.load %arg2[%get3A_9, %get3A_10] : memref<100x1xf32, #tpu.memory_space<vmem>>, vector<100x1xf32>
    %dot_general3A = arith.constant dense<0.000000e+00> : vector<4000x1xf32>
    %dot_general3A_12 = tpu.matmul %select_n3A, %get3A_11, %dot_general3A {dimension_numbers = #tpu.dot_dimension_numbers<[1], [0], [0], [1], [0, 0, 1, 1], [], []>, transpose_lhs_hint = false} : vector<4000x100xf32>, vector<100x1xf32>, vector<4000x1xf32> -> vector<4000x1xf32>
    %mul3A = arith.constant 4.000000e+00 : f32
    %mul3A_13 = vector.broadcast %mul3A : f32 to vector<4000x1xf32>
    %mul3A_14 = arith.mulf %dot_general3A_12, %mul3A_13 : vector<4000x1xf32>
    %div3A = arith.divf %broadcast_in_dim3A, %broadcast_in_dim3A_4 : vector<4000x1xf32>
    %add3A = arith.addf %mul3A_14, %div3A : vector<4000x1xf32>
    %squeeze3A = vector.shape_cast %add3A : vector<4000x1xf32> to vector<4000xf32>
    %swap3A = arith.constant 0 : index
    %swap3A_15 = arith.constant 0 : index
    %swap3A_16 = arith.constant 0 : index
    %swap3A_17 = vector.load %arg3[%swap3A, %swap3A_15, %swap3A_16] : memref<1x1x4000xf32, #tpu.memory_space<vmem>>, vector<1x1x4000xf32>
    %swap3A_18 = vector.shape_cast %swap3A_17 : vector<1x1x4000xf32> to vector<4000xf32>
    %swap3A_19 = vector.shape_cast %squeeze3A : vector<4000xf32> to vector<1x1x4000xf32>
    tpu.vector_store %arg3[%swap3A, %swap3A_15, %swap3A_16], %swap3A_19 {strides = array<i32>} : memref<1x1x4000xf32, #tpu.memory_space<vmem>>, vector<1x1x4000xf32>,
    return
  }
  func.func @transform_0(%arg0: i32) -> (i32, i32) {
    %c0_i32 = arith.constant 0 : i32
    %c0_i32_0 = arith.constant 0 : i32
    return %arg0, %c0_i32 : i32, i32
  }
  func.func @transform_1(%arg0: i32) -> (i32, i32) {
    %c0_i32 = arith.constant 0 : i32
    %c0_i32_0 = arith.constant 0 : i32
    %c0_i32_1 = arith.constant 0 : i32
    return %c0_i32, %c0_i32_0 : i32, i32
  }
  func.func @transform_2(%arg0: i32) -> (i32, i32, i32) {
    %c0_i32 = arith.constant 0 : i32
    %c0_i32_0 = arith.constant 0 : i32
    %c0_i32_1 = arith.constant 0 : i32
    return %arg0, %c0_i32, %c0_i32_0 : i32, i32, i32
  }
}

module attributes {stable_mosaic.version = 14 : i64} {
  func.func @_final_body(%arg0: memref<32x48xf32, #tpu.memory_space<vmem>>, %arg1: memref<2x16xf32, #tpu.memory_space<vmem>>) attributes {dimension_semantics = [], scalar_prefetch = 0 : i64, scratch_operands = 0 : i64, tpu.core_type = #tpu.core_type<tc>} {
    %get3A = arith.constant 0 : index
    %get3A_0 = arith.constant 0 : index
    %get3A_1 = vector.load %arg0[%get3A, %get3A_0] : memref<32x48xf32, #tpu.memory_space<vmem>>, vector<32x48xf32>
    %reduce_sum3A = arith.constant dense<0.000000e+00> : vector<48xf32>
    %reduce_sum3A_2 = vector.multi_reduction <add>, %get3A_1, %reduce_sum3A [0] : vector<32x48xf32> to vector<48xf32>
    %slice3A = vector.extract_strided_slice %reduce_sum3A_2 {offsets = [0], sizes = [16], strides = [1]} : vector<48xf32> to vector<16xf32>
    %slice3A_3 = vector.extract_strided_slice %reduce_sum3A_2 {offsets = [16], sizes = [16], strides = [1]} : vector<48xf32> to vector<16xf32>
    %slice3A_4 = vector.extract_strided_slice %reduce_sum3A_2 {offsets = [32], sizes = [16], strides = [1]} : vector<48xf32> to vector<16xf32>
    %max3A = arith.constant 1.000000e+00 : f32
    %max3A_5 = vector.broadcast %max3A : f32 to vector<16xf32>
    %max3A_6 = arith.maximumf %slice3A, %max3A_5 : vector<16xf32>
    %gt3A = arith.constant 0.000000e+00 : f32
    %gt3A_7 = vector.broadcast %gt3A : f32 to vector<16xf32>
    %gt3A_8 = arith.cmpf ogt, %slice3A, %gt3A_7 : vector<16xf32>
    %div3A = arith.divf %slice3A_3, %max3A_6 : vector<16xf32>
    %jit3A = arith.constant 0.000000e+00 : f32
    %broadcast_in_dim3A = vector.broadcast %jit3A : f32 to vector<16xf32>
    %select_n3A = arith.select %gt3A_8, %div3A, %broadcast_in_dim3A : vector<16xi1>, vector<16xf32>
    %swap3A = arith.constant 0 : index
    %swap3A_9 = arith.constant 0 : index
    %swap3A_10 = vector.load %arg1[%swap3A, %swap3A_9] : memref<2x16xf32, #tpu.memory_space<vmem>>, vector<1x16xf32>
    %swap3A_11 = vector.shape_cast %swap3A_10 : vector<1x16xf32> to vector<16xf32>
    %swap3A_12 = vector.shape_cast %select_n3A : vector<16xf32> to vector<1x16xf32>
    tpu.vector_store %arg1[%swap3A, %swap3A_9], %swap3A_12 {strides = array<i32>} : memref<2x16xf32, #tpu.memory_space<vmem>>, vector<1x16xf32>,
    %div3A_13 = arith.divf %slice3A_4, %max3A_6 : vector<16xf32>
    %jit3A_14 = arith.constant 0.000000e+00 : f32
    %broadcast_in_dim3A_15 = vector.broadcast %jit3A_14 : f32 to vector<16xf32>
    %select_n3A_16 = arith.select %gt3A_8, %div3A_13, %broadcast_in_dim3A_15 : vector<16xi1>, vector<16xf32>
    %swap3A_17 = arith.constant 1 : index
    %swap3A_18 = arith.constant 0 : index
    %swap3A_19 = vector.load %arg1[%swap3A_17, %swap3A_18] : memref<2x16xf32, #tpu.memory_space<vmem>>, vector<1x16xf32>
    %swap3A_20 = vector.shape_cast %swap3A_19 : vector<1x16xf32> to vector<16xf32>
    %swap3A_21 = vector.shape_cast %select_n3A_16 : vector<16xf32> to vector<1x16xf32>
    tpu.vector_store %arg1[%swap3A_17, %swap3A_18], %swap3A_21 {strides = array<i32>} : memref<2x16xf32, #tpu.memory_space<vmem>>, vector<1x16xf32>,
    return
  }
}

</mosaic_0001>

<sc_bundles>
// kernel: kernel.5.cloned.1.call-start
scs
__scs_entry_jumppad:
0x0: {  	(pc) =	sbr.rel $0x88, $3  }
0x1: {  	(tag) =	ssettag $0x0;
	lr =	simm.s32 $0x1  }
0x2: {  	[smem:$0x3F9F] =	sst lr;
	_ =	strace $0xD0000000  }
0x3: {  	_ = 	snop  }
0x4: {  	_ = 	snop  }
0x5: {  	_ = 	snop  }
0x6: {  	_ = 	snop  }
0x7: {  	_ = 	snop  }
__scs_overlays_trampoline_lowered:
0x8: {  	[smem:$0x3FAE] =	sst s0  }
0x9: {  	[smem:$0x3FAF] =	sst s1  }
0xa: {  	[smem:$0x3FB0] =	sst s2  }
0xb: {  	[smem:$0x3FB1] =	sst s3  }
0xc: {  	[smem:$0x3FB2] =	sst s4  }
0xd: {  	[smem:$0x3FB3] =	sst s5  }
0xe: {  	[smem:$0x3FB4] =	sst s6  }
0xf: {  	[smem:$0x3FB5] =	sst s7  }
0x10: {  	[smem:$0x3FB6] =	sst s8  }
0x11: {  	[smem:$0x3FB7] =	sst s9;
	s0 =	simm.s32 @!p0 $0x0  }
0x12: {  	s1 =	sld [smem:$0x3F9D];
	s0 =	simm.s32 @p0 $0x1  }
0x13: {  	[smem:$0x3FB8] =	sst s0;
	s0 =	simm.s32 @!p1 $0x0  }
0x14: {  	s2 =	sld [smem:$0x3F9C];
	s0 =	simm.s32 @p1 $0x1  }
0x15: {  	[smem:$0x3FB9] =	sst s0;
	s0 =	simm.s32 @!p2 $0x0  }
0x16: {  	s3 =	sld [smem:$0x3FDB];
	s0 =	simm.s32 @p2 $0x1  }
0x17: {  	s4 =	simm.s32 $0x1BF5;
	[smem:$0x3FBB] =	sst s0  }
0x18: {  	s0 =	sld [smem:$0x3F9E];
	_ =	swait.ge [sflag:s4], $0x0  }
0x19: {  	s7 =	sld [smem:$0x3F9F]  }
0x1a: {  	s8 =	sadd.s32 $0xFFFFE003, lr  }
0x1b: {  	s9 =	sadd.s32 $0xFFFFFEF7, lr;
	s5 =	simm.s32 $0xFFFFFFFF;
	p2 =	slt.u32 s8, $0xFFFFF086  }
0x1c: {  	p1 =	slt.u32 s9, $0xF7A;
	s5 =	simm.s32 @!p2 $0x0  }
0x1d: {  	s5 =	simm.s32 @p1 $0x1;
	p0 =	seq.s32 s7, s2  }
0x1e: {  	s7 =	smul.u32 @!p0 $0xF7A, s2;
	p2 =	seq.s32 @!p0 s5, $0x0  }
0x1f: {  	s9 =	smul.u32 $0xF7A, s1;
	s8 =	simm.s32 @!p0 $0x1BF5;
	p2 =	por !p2, p0  }
0x20: {  	[sflag:s8] =	ssyncset.s32 @!p0 $0xFFFFF086;
	s6 =	sadd.s32 @!p0 s3, s7;
	s7 =	simm.s32 @!p0 $0x108  }
0x21: {  	s3 =	sadd.s32 s3, s9;
	s6 =	sadd.s32 @!p0 $0x88, s6;
	s7 =	simm.s32 @p2 $0x1082  }
0x22: {  	[simem:s7], [sflag:s8] =	dma.local @!p0 [hbm:s6], $0xF7A  }
0x23: {  	s9 =	sor.u32 $0xD0000000, s2;
	s6 =	simm.s32 $0x108;
	_ =	swait.ge @!p0 [sflag:s8], $0x0  }
0x24: {  	s3 =	sadd.s32 $0x88, s3;
	s6 =	simm.s32 @!p1 $0x1082;
	[sflag:s4] =	ssyncset.s32 $0xFFFFF086  }
0x25: {  	[simem:s6], [sflag:s4] =	dma.local [hbm:s3], $0xF7A  }
0x26: {  	[smem:$0x3F9F] =	sst s1;
	(tag) =	ssettag s2;
	_ =	strace s9  }
0x27: {  	s1 =	sld [smem:$0x3FAF]  }
0x28: {  	s2 =	sld [smem:$0x3FB0]  }
0x29: {  	s4 =	sld [smem:$0x3FB2]  }
0x2a: {  	p0 =	seq.s32 s5, $0x0;
	s5 =	sld [smem:$0x3FB3]  }
0x2b: {  	s6 =	sld [smem:$0x3FB4]  }
0x2c: {  	s7 =	sld [smem:$0x3FB5]  }
0x2d: {  	s3 =	simm.s32 $0x108;
	s8 =	sld [smem:$0x3FB6]  }
0x2e: {  	s3 =	simm.s32 @!p0 $0x1082;
	s9 =	sld [smem:$0x3FB7]  }
0x2f: {  	lr =	sadd.s32 s0, s3;
	s0 =	sld [smem:$0x3FAE]  }
0x30: {  	s3 =	sld [smem:$0x3FB1]  }
0x31: {  	[smem:$0x3FBA] =	sst s10  }
0x32: {  	s10 =	sld [smem:$0x3FB8];
	_ =	sdelay $0x3  }
0x33: {  	p0 =	seq.s32 s10, $0x1;
	s10 =	sld [smem:$0x3FBA];
	_ =	sdelay $0x3  }
0x34: {  	[smem:$0x3FBA] =	sst s10  }
0x35: {  	s10 =	sld [smem:$0x3FB9];
	_ =	sdelay $0x3  }
0x36: {  	p1 =	seq.s32 s10, $0x1;
	s10 =	sld [smem:$0x3FBA];
	_ =	sdelay $0x3  }
0x37: {  	[smem:$0x3FBA] =	sst s10  }
0x38: {  	s10 =	sld [smem:$0x3FBB]  }
0x39: {  	_ = 	snop;
	(pc) =	sbr.ind lr, $3  }
0x3a: {  	_ = 	snop  }
0x3b: {  	_ = 	snop  }
0x3c: {  	p2 =	seq.s32 s10, $0x1;
	s10 =	sld [smem:$0x3FBA]  }
0x3d: {  	_ =	shalt  }
0x3e: {  	_ =	shalt  }
0x3f: {  	_ =	shalt  }
0x40: {  	_ =	shalt  }
0x41: {  	_ =	shalt  }
0x42: {  	_ =	shalt  }
0x43: {  	_ =	shalt  }
0x44: {  	_ =	shalt  }
0x45: {  	_ =	shalt  }
0x46: {  	_ =	shalt  }
0x47: {  	_ =	shalt  }
0x48: {  	_ =	shalt  }
0x49: {  	_ =	shalt  }
0x4a: {  	_ =	shalt  }
0x4b: {  	_ =	shalt  }
0x4c: {  	_ =	shalt  }
0x4d: {  	_ =	shalt  }
0x4e: {  	_ =	shalt  }
0x4f: {  	_ =	shalt  }
0x50: {  	_ =	shalt  }
0x51: {  	_ =	shalt  }
0x52: {  	_ =	shalt  }
0x53: {  	_ =	shalt  }
0x54: {  	_ =	shalt  }
0x55: {  	_ =	shalt  }
0x56: {  	_ =	shalt  }
0x57: {  	_ =	shalt  }
0x58: {  	_ =	shalt  }
0x59: {  	_ =	shalt  }
0x5a: {  	_ =	shalt  }
0x5b: {  	_ =	shalt  }
0x5c: {  	_ =	shalt  }
0x5d: {  	_ =	shalt  }
0x5e: {  	_ =	shalt  }
0x5f: {  	_ =	shalt  }
0x60: {  	_ =	shalt  }
0x61: {  	_ =	shalt  }
0x62: {  	_ =	shalt  }
0x63: {  	_ =	shalt  }
0x64: {  	_ =	shalt  }
0x65: {  	_ =	shalt  }
0x66: {  	_ =	shalt  }
0x67: {  	_ =	shalt  }
0x68: {  	_ =	shalt  }
0x69: {  	_ =	shalt  }
0x6a: {  	_ =	shalt  }
0x6b: {  	_ =	shalt  }
0x6c: {  	_ =	shalt  }
0x6d: {  	_ =	shalt  }
0x6e: {  	_ =	shalt  }
0x6f: {  	_ =	shalt  }
0x70: {  	_ =	shalt  }
0x71: {  	_ =	shalt  }
0x72: {  	_ =	shalt  }
0x73: {  	_ =	shalt  }
0x74: {  	_ =	shalt  }
0x75: {  	_ =	shalt  }
0x76: {  	_ =	shalt  }
0x77: {  	_ =	shalt  }
0x78: {  	_ =	shalt  }
0x79: {  	_ =	shalt  }
0x7a: {  	_ =	shalt  }
0x7b: {  	_ =	shalt  }
0x7c: {  	_ =	shalt  }
0x7d: {  	_ =	shalt  }
0x7e: {  	_ =	shalt  }
0x7f: {  	_ =	shalt  }
0x80: {  	_ =	shalt  }
0x81: {  	_ =	shalt  }
0x82: {  	_ =	shalt  }
0x83: {  	_ =	shalt  }
0x84: {  	_ =	shalt  }
0x85: {  	_ =	shalt  }
0x86: {  	_ =	shalt  }
0x87: {  	_ =	shalt  }
.Lfunc_end0:
.L_simem_size_0:
called_computation_lowered:
.L_overlay_start_0:
0x88: {  	s2 =	sld [smem:$0x3FD9]  }
0x89: {  	s3 =	sld [smem:$0x3FFE];
	_ =	sdelay $0x1  }
0x8a: {  	s1 =	srdreg.scid  }
0x8b: {  	s0 =	sand.u32 $0x1, s1  }
0x8c: {  	s16 =	sshll.u32 s0, $0xA;
	s2 =	sadd.s32 s3, s2  }
0x8d: {  	s2 =	sadd.s32 s2, s16  }
0x8e: {  	[smem:$0x3FC6] =	sst s2  }
0x8f: {  	_ = 	snop  }
0x90: {  	(tm) =	ssettm $0x1  }
0x91: {  	s17 =	sld [smem:$0x3FFB];
	_ =	sdelay $0x3  }
0x92: {  	_ =	strace s17  }
0x93: {  	s2 =	sld [smem:$0x3FFC];
	_ =	sdelay $0x3  }
0x94: {  	_ =	strace s2  }
0x95: {  	s2 =	sld [smem:$0x3FFD];
	_ =	sdelay $0x3  }
0x96: {  	_ =	strace s2  }
0x97: {  	_ =	strace $0x8FFFFFFF  }
0x98: {  	s18 =	sld [smem:$0x3FDB];
	_ =	sdelay $0x1  }
0x99: {  	s19 =	simm.s32 $_scs_section_size  }
0x9a: {  	s4 =	simm.s32 $_size__tile_overlayer_lowered;
	s5 =	simm.s32 $_tile_overlayer_lowered  }
0x9b: {  	s22 =	simm.s32 $0x1BFF;
	s21 =	sshll.u32 s5, $0x1;
	s2 =	sadd.s32 s19, s18  }
0x9c: {  	s6 =	simm.s32 $0x0;
	s20 =	sshll.u32 s4, $0x1;
	s4 =	sadd.s32 s21, s2  }
0x9d: {  	[timem:s6], [sflag:s22] =	dma.local [hbm:s4], s20  }
0x9e: {  	_ =	swait.ge [sflag:s22], s20  }
0x9f: {  	s3 =	ssub.s32 $0x0, s20;
	[sflag:s22] =	ssyncset.done $0x0  }
0xa0: {  	[sflag:s22] =	ssyncadd.s32 s3;
	_ =	sdelay $0x1  }
0xa1: {  	s23 =	simm.s32 $0x1B8B  }
0xa2: {  	_ =	swait.ge [sflag:s23], $0x1  }
0xa3: {  	[sflag:s23] =	ssyncset.done $0x0  }
0xa4: {  	s25 =	simm.s32 $0x1B8E;
	s24 =	sld [smem:$0x3FFE];
	[sflag:s23] =	ssyncadd.s32 $0xFFFFFFFF  }
0xa5: {  	s26 =	simm.s32 $execute0_lowered;
	[smem:$0x3FD2] =	sst s25  }
0xa6: {  	s4 =	sshll.u32 s26, $0x1;
	_ =	strace $0x80000046;
	[dreg:$0x1] =	wrdreg $0xFFFFFFFF  }
0xa7: {  	s28 =	simm.s32 $_size_execute0_lowered;
	s2 =	sadd.s32 s2, s4;
	[dreg:$0x0] =	wrdreg $0x0  }
0xa8: {  	s4 =	sshll.u32 s28, $0x1;
	[dreg:$0x2] =	wrdreg s2  }
0xa9: {  	[dreg:$0x3] =	wrdreg s4  }
0xaa: {  	[dreg:$0x4] =	wrdreg $0xC0  }
0xab: {  	_ =	task [dreg:s6], $0x5FFFF  }
0xac: {  	[dreg:$0x1] =	wrdreg $0xFFFFFFFF  }
0xad: {  	[dreg:$0x0] =	wrdreg $0x60  }
0xae: {  	[dreg:$0x2] =	wrdreg s24  }
0xaf: {  	[dreg:$0x3] =	wrdreg $0x9  }
0xb0: {  	_ =	task.clear_ibuf [dreg:s6], $0x4FFFF;
	_ =	strace $0x90000046  }
0xb1: {  	s29 =	simm.s32 $0x9;
	_ =	strace $0x80000048  }
0xb2: {  	_ =	swait.ge [sflag:s29], $0x1  }
0xb3: {  	[sflag:s29] =	ssyncadd.s32 $0xFFFFFFFF  }
0xb4: {  	_ =	strace $0x90000048  }
0xb5: {  	_ =	sfence  }
0xb6: {  	s30 =	sld [smem:$0x0];
	_ =	sdelay $0x2  }
0xb7: {  	s31 =	sshll.u32 s1, $0xD;
	s1 =	sshrl.u32 s1, $0x2  }
0xb8: {  	s3 =	sand.u32 $0x4000, s31;
	s1 =	sadd.s32 s1, s30  }
0xb9: {  	s0 =	sor.u32 s3, s0;
	s1 =	sshll.u32 s1, $0x11  }
0xba: {  	s0 =	sor.u32 s1, s0  }
0xbb: {  	s0 =	sadd.s32 $0x8F2B, s0  }
0xbc: {  	[sflag:s0] =	ssyncadd.remote.s32 $0x1  }
0xbd: {  	_ =	sfence.sel $0xFFFF  }
0xbe: {  	[dreg:$0x0] =	wrdreg $0xFFFFFFFF;
	(pc) =	sbr.abs _section_cstart, $3  }
0xbf: {  	[dreg:$0x1] =	wrdreg $0xFFFFFFFF  }
0xc0: {  	_ =	task.clear_ibuf [dreg:s6], $0x2FFFF;
	_ =	strace $0x9FFFFFFF  }
0xc1: {  	(tm) =	ssettm $0x7FFFFFFF  }
tec
execute0_lowered:
.L_overlay_start_1:
0x0: {  	(tag) =	ssettag $0x1  }
0x1: {  	s0 =	srdreg.scid;
	s4 =	rddreg [dreg:$0x0]  }
0x2: {  	s1 =	stileid.u32;
	s2 =	simm.s32 $0x0;
	s9 =	simm.s32 $0xF500  }
0x3: {  	s10 =	simm.s32 $0xF600;
	s11 =	simm.s32 $0xF700;
	s12 =	simm.s32 $0xF800  }
0x4: {  	s13 =	simm.s32 $0x0;
	s3 =	sand.u32 $0x1, s0;
	s0 =	rddreg [dreg:$0x1]  }
0x5: {  	[smem:$0x7FF] =	sst s2;
	s7 =	sshll.u32 s1, $0x4;
	s5 =	sshll.u32 s3, $0x4  }
0x6: {  	_ =	strace $0x80000047;
	s3 =	ssub.s32 $0x2, s3;
	s5 =	sor.u32 s1, s5  }
0x7: {  	s7 =	sand.u32 $0x70, s7;
	s6 =	smul.u32 $0xF44, s5;
	s5 =	sshll.u32 s5, $0x4  }
0x8: {  	s8 =	sshrl.u32 s3, $0x1;
	s7 =	sadd.s32 s7, s4;
	s5 =	sand.u32 $0x180, s5  }
0x9: {  	s8 =	ssub.s32 s3, s8;
	s6 =	sadd.s32 s6, s4;
	s5 =	sadd.s32 s5, s7  }
0xa: {  	v0 =	vimm.f32 $0.0e+00;
	v3 =	vlaneseq.u32;
	s7 =	simm.s32 $0x1;
	s3 =	sadd.s32 $0x600, s6;
	s4 =	sadd.s32 $0x1F000, s6  }
0xb: {  	v1 =	vimm.f32 $1.000000000e+00;
	v2 =	vimm.s32 $0x0;
	v3 =	vmul.u32 $0x10, v3;
	s5 =	sadd.s32 $0x3DA00, s5;
	s6 =	smax.u32 s8, $0x1;
	s8 =	simm.s32 $0x7A80  }
.LBB2_1:
0xc: {  	[tilespmem:s2], [sflag:$0x1] =	stream.linear.gather [hbm4b:s3+s2], $0x7A20, $0x38;
	[tilespmem:$0xF880] =	vst v63  }
0xd: {  	_ =	swait.ge [sflag:s7], $0x7A20  }
0xe: {  	[sflag:s7] =	ssyncset.done $0x0  }
0xf: {  	[sflag:s7] =	ssyncadd.s32 $0xFFFF85E0  }
0x10: {  	[tilespmem:s8], [sflag:$0x1] =	stream.linear.gather [hbm4b:s4+s2], $0x7A20, $0x38;
	[tilespmem:$0xF880] =	vst v63  }
0x11: {  	_ =	swait.ge [sflag:s7], $0x7A20  }
0x12: {  	[sflag:s7] =	ssyncset.done $0x0  }
0x13: {  	[sflag:s7] =	ssyncadd.s32 $0xFFFF85E0  }
0x14: {  	[tilespmem:$0xF500] =	vst v0  }
0x15: {  	[tilespmem:$0xF600] =	vst v0  }
0x16: {  	[tilespmem:$0xF700] =	vst v0  }
0x17: {  	[tilespmem:$0xF510] =	vst v0  }
0x18: {  	[tilespmem:$0xF610] =	vst v0  }
0x19: {  	[tilespmem:$0xF710] =	vst v0  }
0x1a: {  	[tilespmem:$0xF520] =	vst v0  }
0x1b: {  	[tilespmem:$0xF620] =	vst v0  }
0x1c: {  	[tilespmem:$0xF720] =	vst v0  }
0x1d: {  	[tilespmem:$0xF530] =	vst v0  }
0x1e: {  	[tilespmem:$0xF630] =	vst v0  }
0x1f: {  	[tilespmem:$0xF730] =	vst v0  }
0x20: {  	[tilespmem:$0xF540] =	vst v0  }
0x21: {  	[tilespmem:$0xF640] =	vst v0  }
0x22: {  	[tilespmem:$0xF740] =	vst v0  }
0x23: {  	[tilespmem:$0xF550] =	vst v0  }
0x24: {  	[tilespmem:$0xF650] =	vst v0  }
0x25: {  	[tilespmem:$0xF750] =	vst v0  }
0x26: {  	[tilespmem:$0xF560] =	vst v0  }
0x27: {  	[tilespmem:$0xF660] =	vst v0  }
0x28: {  	[tilespmem:$0xF760] =	vst v0  }
0x29: {  	[tilespmem:$0xF570] =	vst v0  }
0x2a: {  	[tilespmem:$0xF670] =	vst v0  }
0x2b: {  	[tilespmem:$0xF770] =	vst v0  }
0x2c: {  	[tilespmem:$0xF580] =	vst v0  }
0x2d: {  	[tilespmem:$0xF680] =	vst v0  }
0x2e: {  	[tilespmem:$0xF780] =	vst v0  }
0x2f: {  	[tilespmem:$0xF590] =	vst v0  }
0x30: {  	[tilespmem:$0xF690] =	vst v0  }
0x31: {  	[tilespmem:$0xF790] =	vst v0  }
0x32: {  	[tilespmem:$0xF5A0] =	vst v0  }
0x33: {  	[tilespmem:$0xF6A0] =	vst v0  }
0x34: {  	[tilespmem:$0xF7A0] =	vst v0  }
0x35: {  	[tilespmem:$0xF5B0] =	vst v0  }
0x36: {  	[tilespmem:$0xF6B0] =	vst v0  }
0x37: {  	[tilespmem:$0xF7B0] =	vst v0  }
0x38: {  	[tilespmem:$0xF5C0] =	vst v0  }
0x39: {  	[tilespmem:$0xF6C0] =	vst v0  }
0x3a: {  	[tilespmem:$0xF7C0] =	vst v0  }
0x3b: {  	[tilespmem:$0xF5D0] =	vst v0  }
0x3c: {  	[tilespmem:$0xF6D0] =	vst v0  }
0x3d: {  	[tilespmem:$0xF7D0] =	vst v0  }
0x3e: {  	[tilespmem:$0xF5E0] =	vst v0  }
0x3f: {  	[tilespmem:$0xF6E0] =	vst v0  }
0x40: {  	[tilespmem:$0xF7E0] =	vst v0  }
0x41: {  	[tilespmem:$0xF5F0] =	vst v0  }
0x42: {  	[tilespmem:$0xF6F0] =	vst v0  }
0x43: {  	s14 =	simm.s32 $0x0;
	[tilespmem:$0xF7F0] =	vst v0  }
0x44: {  	v4 =	vld [tilespmem:s14+$0x0];
	_ =	sdelay $0x4  }
0x45: {  	v5 =	vmul.f32 $2.500000000e-01, v4;
	_ =	sdelay $0x1  }
0x46: {  	v5 =	vtrunc.f32 v5  }
0x47: {  	v5 =	vcvt.f32.s32 v5;
	_ =	sdelay $0x1  }
0x48: {  	v5 =	vcvt.s32.f32 v5;
	_ =	sdelay $0x1  }
0x49: {  	v6 =	vmul.f32 $-4.000000000e+00, v5;
	_ =	sdelay $0x1  }
0x4a: {  	v6 =	vadd.f32 v6, v4;
	_ =	sdelay $0x1  }
0x4b: {  	vm0 =	vgt.f32 v6, $0.0e+00  }
0x4c: {  	vm1 =	vgt.f32 v6, $6.666667010e-02;
	vm0 =	vmneg vm0  }
0x4d: {  	vm2 =	vgt.f32 v6, $1.333333400e-01;
	v7 =	vsel vm1, $0x1, v2;
	v4 =	vsel vm0, $0xFFFFFFFF, v2  }
0x4e: {  	vm15 =	vgt.f32 v6, $2.000000030e-01;
	v4 =	vadd.s32 v7, v4;
	v7 =	vsel vm2, $0x1, v2  }
0x4f: {  	vm4 =	vgt.f32 v6, $2.666666810e-01;
	v4 =	vadd.s32 v7, v4;
	v7 =	vsel vm15, $0x1, v2  }
0x50: {  	vm5 =	vgt.f32 v6, $3.333333430e-01;
	v4 =	vadd.s32 v7, v4;
	v7 =	vsel vm4, $0x1, v2  }
0x51: {  	vm6 =	vgt.f32 v6, $4.000000060e-01;
	v4 =	vadd.s32 v7, v4;
	v7 =	vsel vm5, $0x1, v2  }
0x52: {  	vm7 =	vgt.f32 v6, $4.666666690e-01;
	v4 =	vadd.s32 v7, v4;
	v7 =	vsel vm6, $0x1, v2  }
0x53: {  	vm8 =	vgt.f32 v6, $5.333333610e-01;
	v4 =	vadd.s32 v7, v4;
	v7 =	vsel vm7, $0x1, v2  }
0x54: {  	vm9 =	vgt.f32 v6, $6.000000240e-01;
	v4 =	vadd.s32 v7, v4;
	v7 =	vsel vm8, $0x1, v2  }
0x55: {  	vm10 =	vgt.f32 v6, $6.666666860e-01;
	v4 =	vadd.s32 v7, v4;
	v7 =	vsel vm9, $0x1, v2  }
0x56: {  	vm11 =	vgt.f32 v6, $7.333333490e-01;
	v4 =	vadd.s32 v7, v4;
	v7 =	vsel vm10, $0x1, v2  }
0x57: {  	vm12 =	vgt.f32 v6, $8.000000110e-01;
	v4 =	vadd.s32 v7, v4;
	v7 =	vsel vm11, $0x1, v2  }
0x58: {  	vm13 =	vgt.f32 v6, $8.666666740e-01;
	v4 =	vadd.s32 v7, v4;
	v7 =	vsel vm12, $0x1, v2  }
0x59: {  	vm14 =	vgt.f32 v6, $9.333333370e-01;
	v4 =	vadd.s32 v7, v4;
	v7 =	vsel vm13, $0x1, v2  }
0x5a: {  	v4 =	vadd.s32 v7, v4;
	v7 =	vsel vm14, $0x1, v2  }
0x5b: {  	v4 =	vadd.s32 v7, v4  }
0x5c: {  	v4 =	vand.u32 $0xF, v4  }
0x5d: {  	v7 =	vld [tilespmem:s14+$0x7A80];
	v4 =	vor.u32 v3, v4;
	_ =	sdelay $0x4  }
0x5e: {  	vm15 =	veq.f32 v7, v5;
	[tilespmem:v4+s9+$0x0] =	vst.idx.add.f32.msk $0xffff, v1  }
0x5f: {  	s15 =	simm.s32 $0x80;
	s14 =	simm.s32 $0x40;
	v5 =	vsel vm15, $0x3F800000, v0;
	[tilespmem:v4+s10+$0x0] =	vst.idx.add.f32.msk $0xffff, v6  }
.LBB2_2:
0x60: {  	p0 =	sne.s32 s15, $0x1E840  }
0x61: {  	s16 =	sshra.s32 s14, $0x2;
	[tilespmem:v4+s11+$0x0] =	vst.idx.add.f32.msk $0xffff, v5;
	s14 =	smov.u32 s15;
	s15 =	sadd.s32 $0x40, s15  }
0x62: {  	v4 =	vld [tilespmem:s16+$0x0];
	_ =	sdelay $0x4  }
0x63: {  	v5 =	vmul.f32 $2.500000000e-01, v4;
	_ =	sdelay $0x1  }
0x64: {  	v6 =	vld [tilespmem:s16+$0x7A80];
	v5 =	vtrunc.f32 v5  }
0x65: {  	v5 =	vcvt.f32.s32 v5;
	_ =	sdelay $0x1  }
0x66: {  	v5 =	vcvt.s32.f32 v5;
	_ =	sdelay $0x1  }
0x67: {  	v7 =	vmul.f32 $-4.000000000e+00, v5;
	vm0 =	veq.f32 v6, v5;
	_ =	sdelay $0x1  }
0x68: {  	v6 =	vadd.f32 v7, v4;
	_ =	sdelay $0x1  }
0x69: {  	vm1 =	vgt.f32 v6, $0.0e+00;
	vm2 =	vgt.f32 v6, $6.666667010e-02;
	vm3 =	vgt.f32 v6, $1.333333400e-01  }
0x6a: {  	vm4 =	vgt.f32 v6, $2.000000030e-01;
	vm5 =	vgt.f32 v6, $2.666666810e-01;
	vm1 =	vmneg vm1  }
0x6b: {  	v5 =	vsel vm2, $0x1, v2;
	v4 =	vsel vm1, $0xFFFFFFFF, v2;
	vm1 =	vgt.f32 v6, $3.333333430e-01  }
0x6c: {  	vm2 =	vgt.f32 v6, $4.000000060e-01;
	v4 =	vadd.s32 v5, v4;
	v5 =	vsel vm3, $0x1, v2  }
0x6d: {  	vm3 =	vgt.f32 v6, $4.666666690e-01;
	v4 =	vadd.s32 v5, v4;
	v5 =	vsel vm4, $0x1, v2  }
0x6e: {  	vm4 =	vgt.f32 v6, $5.333333610e-01;
	v4 =	vadd.s32 v5, v4;
	v5 =	vsel vm5, $0x1, v2  }
0x6f: {  	v4 =	vadd.s32 v5, v4;
	v5 =	vsel vm1, $0x1, v2;
	vm1 =	vgt.f32 v6, $6.000000240e-01  }
0x70: {  	v4 =	vadd.s32 v5, v4;
	v5 =	vsel vm2, $0x1, v2;
	vm2 =	vgt.f32 v6, $6.666666860e-01  }
0x71: {  	v4 =	vadd.s32 v5, v4;
	v5 =	vsel vm3, $0x1, v2;
	vm3 =	vgt.f32 v6, $7.333333490e-01  }
0x72: {  	v4 =	vadd.s32 v5, v4;
	v5 =	vsel vm4, $0x1, v2;
	vm4 =	vgt.f32 v6, $8.000000110e-01  }
0x73: {  	v4 =	vadd.s32 v5, v4;
	v5 =	vsel vm1, $0x1, v2;
	vm1 =	vgt.f32 v6, $8.666666740e-01  }
0x74: {  	v4 =	vadd.s32 v5, v4;
	v5 =	vsel vm2, $0x1, v2;
	vm2 =	vgt.f32 v6, $9.333333370e-01  }
0x75: {  	v4 =	vadd.s32 v5, v4;
	v5 =	vsel vm3, $0x1, v2  }
0x76: {  	v4 =	vadd.s32 v5, v4;
	v5 =	vsel vm4, $0x1, v2  }
0x77: {  	v4 =	vadd.s32 v5, v4;
	v5 =	vsel vm1, $0x1, v2  }
0x78: {  	v4 =	vadd.s32 v5, v4;
	v5 =	vsel vm2, $0x1, v2  }
0x79: {  	v4 =	vadd.s32 v5, v4  }
0x7a: {  	v4 =	vand.u32 $0xF, v4  }
0x7b: {  	v4 =	vor.u32 v3, v4;
	_ =	sdelay $0x1  }
.Ltmp0:
0x7c: {  	(pc) =	sbr.rel @p0 .LBB2_2-.Ltmp0, $3  }
0x7d: {  	_ =	sdelay $0x1  }
0x7e: {  	[tilespmem:v4+s9+$0x0] =	vst.idx.add.f32.msk $0xffff, v1  }
0x7f: {  	v5 =	vsel vm0, $0x3F800000, v0;
	[tilespmem:v4+s10+$0x0] =	vst.idx.add.f32.msk $0xffff, v6  }
0x80: {  	_ =	sdelay $0x3  }
0x81: {  	s14 =	sshra.s32 s14, $0x2;
	[tilespmem:v4+s11+$0x0] =	vst.idx.add.f32.msk $0xffff, v5  }
0x82: {  	v4 =	vld [tilespmem:s14+$0x0];
	_ =	sdelay $0x4  }
0x83: {  	v5 =	vmul.f32 $2.500000000e-01, v4;
	_ =	sdelay $0x1  }
0x84: {  	v5 =	vtrunc.f32 v5  }
0x85: {  	v5 =	vcvt.f32.s32 v5;
	_ =	sdelay $0x1  }
0x86: {  	v5 =	vcvt.s32.f32 v5;
	_ =	sdelay $0x1  }
0x87: {  	v6 =	vmul.f32 $-4.000000000e+00, v5;
	_ =	sdelay $0x1  }
0x88: {  	v4 =	vadd.f32 v6, v4;
	_ =	sdelay $0x1  }
0x89: {  	vm0 =	vgt.f32 v4, $0.0e+00  }
0x8a: {  	vm1 =	vgt.f32 v4, $6.666667010e-02;
	vm0 =	vmneg vm0  }
0x8b: {  	vm2 =	vgt.f32 v4, $1.333333400e-01;
	v7 =	vsel vm1, $0x1, v2;
	v22 =	vsel vm0, $0xFFFFFFFF, v2  }
0x8c: {  	vm15 =	vgt.f32 v4, $2.000000030e-01;
	v23 =	vsel vm2, $0x1, v2;
	v6 =	vadd.s32 v7, v22  }
0x8d: {  	vm4 =	vgt.f32 v4, $2.666666810e-01;
	v24 =	vsel vm15, $0x1, v2;
	v6 =	vadd.s32 v23, v6  }
0x8e: {  	vm5 =	vgt.f32 v4, $3.333333430e-01;
	v25 =	vsel vm4, $0x1, v2;
	v6 =	vadd.s32 v24, v6  }
0x8f: {  	vm6 =	vgt.f32 v4, $4.000000060e-01;
	v26 =	vsel vm5, $0x1, v2;
	v6 =	vadd.s32 v25, v6  }
0x90: {  	vm7 =	vgt.f32 v4, $4.666666690e-01;
	v27 =	vsel vm6, $0x1, v2;
	v6 =	vadd.s32 v26, v6  }
0x91: {  	vm8 =	vgt.f32 v4, $5.333333610e-01;
	v28 =	vsel vm7, $0x1, v2;
	v6 =	vadd.s32 v27, v6  }
0x92: {  	vm9 =	vgt.f32 v4, $6.000000240e-01;
	v29 =	vsel vm8, $0x1, v2;
	v6 =	vadd.s32 v28, v6  }
0x93: {  	vm10 =	vgt.f32 v4, $6.666666860e-01;
	v30 =	vsel vm9, $0x1, v2;
	v6 =	vadd.s32 v29, v6  }
0x94: {  	vm11 =	vgt.f32 v4, $7.333333490e-01;
	v31 =	vsel vm10, $0x1, v2;
	v6 =	vadd.s32 v30, v6  }
0x95: {  	vm12 =	vgt.f32 v4, $8.000000110e-01;
	v32 =	vsel vm11, $0x1, v2;
	v6 =	vadd.s32 v31, v6  }
0x96: {  	vm13 =	vgt.f32 v4, $8.666666740e-01;
	v33 =	vsel vm12, $0x1, v2;
	v6 =	vadd.s32 v32, v6  }
0x97: {  	vm14 =	vgt.f32 v4, $9.333333370e-01;
	v34 =	vsel vm13, $0x1, v2;
	v6 =	vadd.s32 v33, v6  }
0x98: {  	v35 =	vsel vm14, $0x1, v2;
	v6 =	vadd.s32 v34, v6  }
0x99: {  	v6 =	vadd.s32 v35, v6  }
0x9a: {  	v6 =	vand.u32 $0xF, v6  }
0x9b: {  	v36 =	vld [tilespmem:s14+$0x7A80];
	v6 =	vor.u32 v3, v6;
	_ =	sdelay $0x4  }
0x9c: {  	vm15 =	veq.f32 v36, v5;
	[tilespmem:v6+s9+$0x0] =	vst.idx.add.f32.msk $0xffff, v1  }
0x9d: {  	v5 =	vsel vm15, $0x3F800000, v0;
	[tilespmem:v6+s10+$0x0] =	vst.idx.add.f32.msk $0xffff, v4  }
0x9e: {  	[tilespmem:v6+s11+$0x0] =	vst.idx.add.f32.msk $0xffff, v5  }
0x9f: {  	v4 =	vld [tilespmem:$0xF500]  }
0xa0: {  	v5 =	vld [tilespmem:$0xF600]  }
0xa1: {  	v6 =	vld [tilespmem:$0xF700]  }
0xa2: {  	v37 =	vld [tilespmem:$0xF510]  }
0xa3: {  	v8 =	vld [tilespmem:$0xF610]  }
0xa4: {  	v9 =	vld [tilespmem:$0xF710]  }
0xa5: {  	v10 =	vld [tilespmem:$0xF520]  }
0xa6: {  	v11 =	vld [tilespmem:$0xF620]  }
0xa7: {  	v12 =	vld [tilespmem:$0xF720]  }
0xa8: {  	v13 =	vld [tilespmem:$0xF530]  }
0xa9: {  	v14 =	vld [tilespmem:$0xF630]  }
0xaa: {  	v15 =	vld [tilespmem:$0xF730]  }
0xab: {  	v16 =	vld [tilespmem:$0xF540]  }
0xac: {  	v17 =	vld [tilespmem:$0xF640]  }
0xad: {  	v18 =	vld [tilespmem:$0xF740]  }
0xae: {  	v19 =	vld [tilespmem:$0xF550]  }
0xaf: {  	v20 =	vld [tilespmem:$0xF650]  }
0xb0: {  	v21 =	vld [tilespmem:$0xF750]  }
0xb1: {  	v22 =	vld [tilespmem:$0xF560]  }
0xb2: {  	v23 =	vld [tilespmem:$0xF660]  }
0xb3: {  	v24 =	vld [tilespmem:$0xF760]  }
0xb4: {  	v25 =	vld [tilespmem:$0xF570]  }
0xb5: {  	v38 =	vld [tilespmem:$0xF670];
	v4 =	vadd.f32 v37, v4  }
0xb6: {  	v39 =	vld [tilespmem:$0xF770];
	v5 =	vadd.f32 v8, v5  }
0xb7: {  	v40 =	vld [tilespmem:$0xF580];
	v6 =	vadd.f32 v9, v6;
	v4 =	vadd.f32 v10, v4  }
0xb8: {  	v41 =	vld [tilespmem:$0xF680];
	v5 =	vadd.f32 v11, v5  }
0xb9: {  	v42 =	vld [tilespmem:$0xF780];
	v6 =	vadd.f32 v12, v6;
	v4 =	vadd.f32 v13, v4  }
0xba: {  	v43 =	vld [tilespmem:$0xF590];
	v5 =	vadd.f32 v14, v5  }
0xbb: {  	v44 =	vld [tilespmem:$0xF690];
	v6 =	vadd.f32 v15, v6;
	v4 =	vadd.f32 v16, v4  }
0xbc: {  	v45 =	vld [tilespmem:$0xF790];
	v5 =	vadd.f32 v17, v5  }
0xbd: {  	v46 =	vld [tilespmem:$0xF5A0];
	v6 =	vadd.f32 v18, v6;
	v4 =	vadd.f32 v19, v4  }
0xbe: {  	v47 =	vld [tilespmem:$0xF6A0];
	v5 =	vadd.f32 v20, v5  }
0xbf: {  	v48 =	vld [tilespmem:$0xF7A0];
	v6 =	vadd.f32 v21, v6;
	v4 =	vadd.f32 v22, v4  }
0xc0: {  	v49 =	vld [tilespmem:$0xF5B0];
	v5 =	vadd.f32 v23, v5  }
0xc1: {  	v50 =	vld [tilespmem:$0xF6B0];
	v6 =	vadd.f32 v24, v6;
	v4 =	vadd.f32 v25, v4  }
0xc2: {  	v51 =	vld [tilespmem:$0xF7B0];
	v5 =	vadd.f32 v38, v5  }
0xc3: {  	v52 =	vld [tilespmem:$0xF5C0];
	v6 =	vadd.f32 v39, v6;
	v4 =	vadd.f32 v40, v4  }
0xc4: {  	v53 =	vld [tilespmem:$0xF6C0];
	v5 =	vadd.f32 v41, v5  }
0xc5: {  	v54 =	vld [tilespmem:$0xF7C0];
	v6 =	vadd.f32 v42, v6;
	v4 =	vadd.f32 v43, v4  }
0xc6: {  	v55 =	vld [tilespmem:$0xF5D0];
	v5 =	vadd.f32 v44, v5  }
0xc7: {  	v56 =	vld [tilespmem:$0xF6D0];
	v6 =	vadd.f32 v45, v6;
	v4 =	vadd.f32 v46, v4  }
0xc8: {  	v57 =	vld [tilespmem:$0xF7D0];
	v5 =	vadd.f32 v47, v5  }
0xc9: {  	v58 =	vld [tilespmem:$0xF5E0];
	v6 =	vadd.f32 v48, v6;
	v4 =	vadd.f32 v49, v4  }
0xca: {  	v59 =	vld [tilespmem:$0xF6E0];
	v5 =	vadd.f32 v50, v5  }
0xcb: {  	v60 =	vld [tilespmem:$0xF7E0];
	v6 =	vadd.f32 v51, v6;
	v4 =	vadd.f32 v52, v4  }
0xcc: {  	v61 =	vld [tilespmem:$0xF5F0];
	v5 =	vadd.f32 v53, v5  }
0xcd: {  	v62 =	vld [tilespmem:$0xF6F0];
	v6 =	vadd.f32 v54, v6;
	v4 =	vadd.f32 v55, v4  }
0xce: {  	v63 =	vld [tilespmem:$0xF7F0];
	v5 =	vadd.f32 v56, v5  }
0xcf: {  	v6 =	vadd.f32 v57, v6;
	v4 =	vadd.f32 v58, v4  }
0xd0: {  	v5 =	vadd.f32 v59, v5  }
0xd1: {  	v6 =	vadd.f32 v60, v6;
	v4 =	vadd.f32 v61, v4  }
0xd2: {  	v5 =	vadd.f32 v62, v5  }
0xd3: {  	s13 =	sadd.s32 $0x1, s13;
	v6 =	vadd.f32 v63, v6;
	[tilespmem:$0xF800] =	vst v4  }
0xd4: {  	p0 =	sne.s32 s13, s6;
	[tilespmem:$0xF810] =	vst v5  }
.Ltmp1:
0xd5: {  	[tilespmem:$0xF820] =	vst v6;
	(pc) =	sbr.rel @p0 .LBB2_1-.Ltmp1, $4  }
0xd6: {  	[hbm4b:s5+s2] =	stream.linear.scatter [tilespmem:s12], [sflag:$0x1], $0x80, $0x38;
	[tilespmem:$0xF880] =	vst v63  }
0xd7: {  	_ =	swait.ge [sflag:s7], $0x80  }
0xd8: {  	[sflag:s7] =	ssyncset.done $0x0  }
0xd9: {  	[sflag:s7] =	ssyncadd.s32 $0xFFFFFF80  }
0xda: {  	_ =	sfence.sel $0x180000  }
0xdb: {  	[bflag:$0x0] =	sbarrier.arrive $0xFFFF  }
0xdc: {  	p0 =	sne.s32 s1, $0x0;
	_ =	strace $0x90000047  }
0xdd: {  	s0 =	sadd.s32 @!p0 $0x100000, s0;
	[bflag:$0x2] =	sbarrier.arrive $0xFFFF  }
0xde: {  	[sflag:s0] =	ssyncadd.tile.s32 @!p0 $0x1;
	_ =	shalt  }
.Lfunc_end2:
_tile_overlayer_lowered:
.L_overlay_start_2:
0xdf: {  	(tag) =	ssettag $0x2  }
0xe0: {  	s0 =	rddreg [dreg:$0x0];
	s2 =	stileid.u32  }
0xe1: {  	s1 =	rddreg [dreg:$0x1];
	p0 =	sne.s32 s2, $0x0  }
0xe2: {  	s3 =	rddreg [dreg:$0x2];
	[bflag:$0x3] =	sbarrier.arrive $0xFFFF;
	s2 =	simm.s32 @!p0 $0x1C01  }
0xe3: {  	[timem:s3], [sflag:s2] =	dma.local @!p0 [hbm:s0], s1  }
0xe4: {  	s0 =	simm.s32 @!p0 $0x1  }
0xe5: {  	_ =	swait.ge @!p0 [sflag:s0], s1  }
0xe6: {  	s1 =	ssub.s32 @!p0 $0x0, s1;
	[sflag:s0] =	ssyncset.done @!p0 $0x0  }
0xe7: {  	[sflag:s0] =	ssyncadd.s32 @!p0 s1  }
0xe8: {  	[bflag:$0x3] =	sbarrier.arrive $0xFFFF  }
0xe9: {  	_ =	shalt  }

</sc_bundles>
